<compile_context>
chip_gen: v7x
topology: tpu7x:2x2x1
jax: 0.10.2.dev20260603
libtpu: 0.0.44.dev20260713+nightly
codegen_flags: <defaults>
</compile_context>

<pallas_src>
import functools

import jax
import jax.numpy as jnp
from jax import lax
from jax.experimental import pallas as pl
from jax.experimental.pallas import tpu as pltpu, tpu_sc as plsc

_BLOCK = 32768


def _sc_gather(scores_flat, allowed_ids, batch, vocab):
    nids = allowed_ids.shape[0]
    info = plsc.get_sparse_core_info()
    nw = info.num_cores * info.num_subcores
    rows_per_w = batch // nw
    per_w = rows_per_w * nids
    mesh = plsc.VectorSubcoreMesh(core_axis_name="c", subcore_axis_name="s")

    @functools.partial(
        pl.kernel,
        mesh=mesh,
        out_type=jax.ShapeDtypeStruct((batch * nids,), jnp.float32),
        scratch_types=[
            pltpu.VMEM((nids,), jnp.int32),
            pltpu.VMEM((per_w,), jnp.int32),
            pltpu.VMEM((per_w,), jnp.float32),
            pltpu.SemaphoreType.DMA,
        ],
    )
    def sc_body(scores_hbm, ids_hbm, out_hbm, ids_v, idx_v, vals_v, sem):
        wid = lax.axis_index("s") * info.num_cores + lax.axis_index("c")
        pltpu.sync_copy(ids_hbm, ids_v)
        for r in range(rows_per_w):
            base = (wid * rows_per_w + r) * vocab
            for c in range(nids // 16):
                v = ids_v[pl.ds(c * 16, 16)]
                idx_v[pl.ds(r * nids + c * 16, 16)] = v + base
        pltpu.async_copy(scores_hbm.at[idx_v], vals_v, sem).wait()
        pltpu.sync_copy(vals_v, out_hbm.at[pl.ds(wid * per_w, per_w)])

    return sc_body(scores_flat, allowed_ids).reshape(batch, nids)


def kernel(input_ids, scores, allowed_ids):
    del input_ids
    batch, vocab = scores.shape
    nids = allowed_ids.shape[0]

    gathered = _sc_gather(scores.reshape(-1), allowed_ids, batch, vocab)

    num_blocks = pl.cdiv(vocab, _BLOCK)

    def fill_body(ids_ref, gath_ref, out_ref):
        i = pl.program_id(0)
        base = i * _BLOCK
        out_ref[...] = jnp.full((batch, _BLOCK), -jnp.inf, out_ref.dtype)
        coliota = jax.lax.broadcasted_iota(jnp.int32, (batch, _BLOCK), 1)
        for j in range(nids):
            pos = ids_ref[j] - base

            @pl.when((pos >= 0) & (pos < _BLOCK))
            def _scatter(j=j, pos=pos):
                val = gath_ref[:, j:j + 1]
                out_ref[...] = jnp.where(coliota == pos, val, out_ref[...])

    out = pl.pallas_call(
        fill_body,
        grid_spec=pltpu.PrefetchScalarGridSpec(
            num_scalar_prefetch=1,
            grid=(num_blocks,),
            in_specs=[
                pl.BlockSpec((batch, nids), lambda i, ids: (0, 0)),
            ],
            out_specs=pl.BlockSpec((batch, _BLOCK), lambda i, ids: (0, i)),
        ),
        out_shape=jax.ShapeDtypeStruct((batch, vocab), scores.dtype),
    )(allowed_ids, gathered)
    return out

# --- scband reference (transcript-rebuilt; emitter-appended) ---
"""Pipeline reference for scband-restrict-first-token-processor-17944373363301 (READ-ONLY COPY).

The authoritative reference and input builder live on the scoring server;
editing this copy changes nothing except your own understanding.
"""

import jax, jax.numpy as jnp
import numpy as np

ALLOWED = [3, 117, 2048, 4099, 8192, 16001, 32768, 65537, 99991, 131072, 150000, 200003, 262144, 300007, 350011, 400009, 450013, 500000, 524288, 550007, 600011, 650017, 700001, 750019, 800021, 850027, 900001, 950023, 980041, 990001, 999983, 999999]

BATCH = 64
VOCAB = 1000000


def setup_inputs(seed: int = 0) -> dict:
    key = jax.random.key(seed)
    k1, k2 = jax.random.split(key)
    scores = jax.random.normal(k1, (BATCH, VOCAB), dtype=jnp.float32)
    input_ids = jax.random.randint(k2, (BATCH, 1), 0, VOCAB, dtype=jnp.int32)
    allowed_ids = jnp.asarray(ALLOWED, dtype=jnp.int32)
    return {"input_ids": input_ids, "scores": scores, "allowed_ids": allowed_ids}


def reference(input_ids, scores, allowed_ids):
    # First-call behavior of RestrictFirstTokenProcessor:
    # mask = full_like(scores, -inf); mask[:, idx] = scores[:, idx] for idx in allowed_ids
    mask = jnp.full_like(scores, -jnp.inf)
    gathered = scores[:, allowed_ids]  # gather allowed columns
    mask = mask.at[:, allowed_ids].set(gathered)  # scatter-overwrite into -inf mask
    return mask

if __name__ == "__main__":
    import jax
    _d = setup_inputs()
    print(jax.jit(kernel)(*tuple(_d.values())))

</pallas_src>

<mosaic_0001>
#map = affine_map<(d0, d1) -> (0)>
module attributes {stable_mosaic.version = 14 : i64} {
  func.func @sc_body(%arg0: i32, %arg1: i32, %arg2: memref<64000000xf32, #tpu.memory_space<hbm>>, %arg3: memref<32xi32, #tpu.memory_space<hbm>>, %arg4: memref<2048xf32, #tpu.memory_space<hbm>>, %arg5: memref<32xi32, #tpu.memory_space<vmem>>, %arg6: memref<64xi32, #tpu.memory_space<vmem>>, %arg7: memref<64xf32, #tpu.memory_space<vmem>>, %arg8: memref<!tpu.dma_semaphore, #tpu.memory_space<semaphore_mem>>) attributes {dimension_semantics = [#tpu.dimension_semantics<core_parallel>, #tpu.dimension_semantics<subcore_parallel>], iteration_bounds = array<i64: 2, 16>, scalar_prefetch = 0 : i64, scratch_operands = 4 : i64, tpu.core_type = #tpu.core_type<sc_vector_subcore>, window_params = [{transform_indices = #map}, {transform_indices = #map}, {transform_indices = #map}]} {
    %mul3A = arith.constant 2 : i32
    %mul3A_0 = arith.muli %arg1, %mul3A : i32
    %add3A = arith.addi %mul3A_0, %arg0 : i32
    "tpu.region"() ({
      %run_scoped3A = tpu.sem_alloc : memref<!tpu.dma_semaphore, #tpu.memory_space<semaphore_mem>>
      tpu.enqueue_dma source(%arg3 : memref<32xi32, #tpu.memory_space<hbm>>) target(%arg5 : memref<32xi32, #tpu.memory_space<vmem>>) target_semaphore(%run_scoped3A : memref<!tpu.dma_semaphore, #tpu.memory_space<semaphore_mem>>)
      tpu.wait_dma2 semaphore(%run_scoped3A : memref<!tpu.dma_semaphore, #tpu.memory_space<semaphore_mem>>) src(%arg3 : memref<32xi32, #tpu.memory_space<hbm>>) dst(%arg5 : memref<32xi32, #tpu.memory_space<vmem>>)
      tpu.yield
    }) : () -> ()
    %mul3A_1 = arith.constant 2 : i32
    %mul3A_2 = arith.muli %add3A, %mul3A_1 : i32
    %add3A_3 = arith.constant 0 : i32
    %add3A_4 = arith.addi %mul3A_2, %add3A_3 : i32
    %mul3A_5 = arith.constant 1000000 : i32
    %mul3A_6 = arith.muli %add3A_4, %mul3A_5 : i32
    %get3A = arith.constant 0 : index
    %get3A_7 = tpu.vector_load %arg5[%get3A] {strides = array<i32>} : memref<32xi32, #tpu.memory_space<vmem>>, vector<16xi32>,
    %get3A_8 = vector.shape_cast %get3A_7 : vector<16xi32> to vector<16xi32>
    %add3A_9 = vector.broadcast %mul3A_6 : i32 to vector<16xi32>
    %add3A_10 = arith.addi %get3A_8, %add3A_9 : vector<16xi32>
    %swap3A = arith.constant 0 : index
    %swap3A_11 = tpu.vector_load %arg6[%swap3A] {strides = array<i32>} : memref<64xi32, #tpu.memory_space<vmem>>, vector<16xi32>,
    %swap3A_12 = vector.shape_cast %swap3A_11 : vector<16xi32> to vector<16xi32>
    %swap3A_13 = vector.shape_cast %add3A_10 : vector<16xi32> to vector<16xi32>
    tpu.vector_store %arg6[%swap3A], %swap3A_13 {strides = array<i32>} : memref<64xi32, #tpu.memory_space<vmem>>, vector<16xi32>,
    %get3A_14 = arith.constant 16 : index
    %get3A_15 = tpu.vector_load %arg5[%get3A_14] {strides = array<i32>} : memref<32xi32, #tpu.memory_space<vmem>>, vector<16xi32>,
    %get3A_16 = vector.shape_cast %get3A_15 : vector<16xi32> to vector<16xi32>
    %add3A_17 = vector.broadcast %mul3A_6 : i32 to vector<16xi32>
    %add3A_18 = arith.addi %get3A_16, %add3A_17 : vector<16xi32>
    %swap3A_19 = arith.constant 16 : index
    %swap3A_20 = tpu.vector_load %arg6[%swap3A_19] {strides = array<i32>} : memref<64xi32, #tpu.memory_space<vmem>>, vector<16xi32>,
    %swap3A_21 = vector.shape_cast %swap3A_20 : vector<16xi32> to vector<16xi32>
    %swap3A_22 = vector.shape_cast %add3A_18 : vector<16xi32> to vector<16xi32>
    tpu.vector_store %arg6[%swap3A_19], %swap3A_22 {strides = array<i32>} : memref<64xi32, #tpu.memory_space<vmem>>, vector<16xi32>,
    %mul3A_23 = arith.constant 2 : i32
    %mul3A_24 = arith.muli %add3A, %mul3A_23 : i32
    %add3A_25 = arith.constant 1 : i32
    %add3A_26 = arith.addi %mul3A_24, %add3A_25 : i32
    %mul3A_27 = arith.constant 1000000 : i32
    %mul3A_28 = arith.muli %add3A_26, %mul3A_27 : i32
    %get3A_29 = arith.constant 0 : index
    %get3A_30 = tpu.vector_load %arg5[%get3A_29] {strides = array<i32>} : memref<32xi32, #tpu.memory_space<vmem>>, vector<16xi32>,
    %get3A_31 = vector.shape_cast %get3A_30 : vector<16xi32> to vector<16xi32>
    %add3A_32 = vector.broadcast %mul3A_28 : i32 to vector<16xi32>
    %add3A_33 = arith.addi %get3A_31, %add3A_32 : vector<16xi32>
    %swap3A_34 = arith.constant 32 : index
    %swap3A_35 = tpu.vector_load %arg6[%swap3A_34] {strides = array<i32>} : memref<64xi32, #tpu.memory_space<vmem>>, vector<16xi32>,
    %swap3A_36 = vector.shape_cast %swap3A_35 : vector<16xi32> to vector<16xi32>
    %swap3A_37 = vector.shape_cast %add3A_33 : vector<16xi32> to vector<16xi32>
    tpu.vector_store %arg6[%swap3A_34], %swap3A_37 {strides = array<i32>} : memref<64xi32, #tpu.memory_space<vmem>>, vector<16xi32>,
    %get3A_38 = arith.constant 16 : index
    %get3A_39 = tpu.vector_load %arg5[%get3A_38] {strides = array<i32>} : memref<32xi32, #tpu.memory_space<vmem>>, vector<16xi32>,
    %get3A_40 = vector.shape_cast %get3A_39 : vector<16xi32> to vector<16xi32>
    %add3A_41 = vector.broadcast %mul3A_28 : i32 to vector<16xi32>
    %add3A_42 = arith.addi %get3A_40, %add3A_41 : vector<16xi32>
    %swap3A_43 = arith.constant 48 : index
    %swap3A_44 = tpu.vector_load %arg6[%swap3A_43] {strides = array<i32>} : memref<64xi32, #tpu.memory_space<vmem>>, vector<16xi32>,
    %swap3A_45 = vector.shape_cast %swap3A_44 : vector<16xi32> to vector<16xi32>
    %swap3A_46 = vector.shape_cast %add3A_42 : vector<16xi32> to vector<16xi32>
    tpu.vector_store %arg6[%swap3A_43], %swap3A_46 {strides = array<i32>} : memref<64xi32, #tpu.memory_space<vmem>>, vector<16xi32>,
    %dma_start3A = arith.constant 0 : i32
    %dma_start3A_47 = tpu.memref_slice %arg2[%dma_start3A] : memref<64000000xf32, #tpu.memory_space<hbm>> -> memref<64000000xf32, #tpu.memory_space<hbm>>
    tpu.enqueue_indirect_dma source(%dma_start3A_47 : memref<64000000xf32, #tpu.memory_space<hbm>>) target(%arg7 : memref<64xf32, #tpu.memory_space<vmem>>) offsets(%arg6 : memref<64xi32, #tpu.memory_space<vmem>>) semaphore(%arg8 : memref<!tpu.dma_semaphore, #tpu.memory_space<semaphore_mem>>)
    %dma_wait3A = arith.constant 0 : i32
    %dma_wait3A_48 = tpu.memref_slice %arg2[%dma_wait3A] : memref<64000000xf32, #tpu.memory_space<hbm>> -> memref<64000000xf32, #tpu.memory_space<hbm>>
    tpu.wait_indirect_dma semaphore(%arg8 : memref<!tpu.dma_semaphore, #tpu.memory_space<semaphore_mem>>) src(%dma_wait3A_48 : memref<64000000xf32, #tpu.memory_space<hbm>>) dst(%arg7 : memref<64xf32, #tpu.memory_space<vmem>>)
    %mul3A_49 = arith.constant 64 : i32
    %mul3A_50 = arith.muli %add3A, %mul3A_49 : i32
    "tpu.region"() ({
      %run_scoped3A = tpu.sem_alloc : memref<!tpu.dma_semaphore, #tpu.memory_space<semaphore_mem>>
      %dma_start3A_51 = tpu.memref_slice %arg4[%mul3A_50] : memref<2048xf32, #tpu.memory_space<hbm>> -> memref<64xf32, #tpu.memory_space<hbm>>
      %dma_start3A_52 = tpu.memref_slice %arg4[%mul3A_50] : memref<2048xf32, #tpu.memory_space<hbm>> -> memref<64xf32, #tpu.memory_space<hbm>>
      tpu.enqueue_dma source(%arg7 : memref<64xf32, #tpu.memory_space<vmem>>) target(%dma_start3A_52 : memref<64xf32, #tpu.memory_space<hbm>>) target_semaphore(%run_scoped3A : memref<!tpu.dma_semaphore, #tpu.memory_space<semaphore_mem>>)
      %dma_wait3A_53 = tpu.memref_slice %arg4[%mul3A_50] : memref<2048xf32, #tpu.memory_space<hbm>> -> memref<64xf32, #tpu.memory_space<hbm>>
      %dma_wait3A_54 = tpu.memref_slice %arg4[%mul3A_50] : memref<2048xf32, #tpu.memory_space<hbm>> -> memref<64xf32, #tpu.memory_space<hbm>>
      tpu.wait_dma2 semaphore(%run_scoped3A : memref<!tpu.dma_semaphore, #tpu.memory_space<semaphore_mem>>) src(%arg7 : memref<64xf32, #tpu.memory_space<vmem>>) dst(%dma_wait3A_54 : memref<64xf32, #tpu.memory_space<hbm>>)
      tpu.yield
    }) : () -> ()
    return
  }
}

module attributes {stable_mosaic.version = 14 : i64} {
  func.func @fill_body(%arg0: i32, %arg1: memref<32xi32, #tpu.memory_space<smem>>, %arg2: memref<64x32xf32, #tpu.memory_space<vmem>>, %arg3: memref<64x32768xf32, #tpu.memory_space<vmem>>) attributes {dimension_semantics = [#tpu.dimension_semantics<arbitrary>], iteration_bounds = array<i64: 31>, scalar_prefetch = 1 : i64, scratch_operands = 0 : i64, tpu.core_type = #tpu.core_type<tc>, window_params = [{pipeline_mode = #tpu.pipeline_mode<synchronous>, transform_indices = @transform_0, window_bounds = array<i64: 64, 32>}, {transform_indices = @transform_1, window_bounds = array<i64: 64, 32768>}]} {
    %mul3A = arith.constant 32768 : i32
    %mul3A_0 = arith.muli %arg0, %mul3A : i32
    %broadcast_in_dim3A = arith.constant 0xFF800000 : f32
    %broadcast_in_dim3A_1 = vector.broadcast %broadcast_in_dim3A : f32 to vector<64x32768xf32>
    %swap3A = arith.constant 0 : index
    %swap3A_2 = arith.constant 0 : index
    %swap3A_3 = vector.load %arg3[%swap3A, %swap3A_2] : memref<64x32768xf32, #tpu.memory_space<vmem>>, vector<64x32768xf32>
    tpu.vector_store %arg3[%swap3A, %swap3A_2], %broadcast_in_dim3A_1 {strides = array<i32>} : memref<64x32768xf32, #tpu.memory_space<vmem>>, vector<64x32768xf32>,
    %iota3A = tpu.iota {dimensions = array<i32: 1>} : vector<64x32768xi32>
    %get3A = arith.constant 0 : index
    %get3A_4 = memref.load %arg1[%get3A] : memref<32xi32, #tpu.memory_space<smem>>
    %sub3A = arith.subi %get3A_4, %mul3A_0 : i32
    %ge3A = arith.constant 0 : i32
    %ge3A_5 = arith.cmpi sge, %sub3A, %ge3A : i32
    %lt3A = arith.constant 32768 : i32
    %lt3A_6 = arith.cmpi slt, %sub3A, %lt3A : i32
    %and3A = arith.andi %ge3A_5, %lt3A_6 : i1
    %convert_element_type3A = arith.extui %and3A : i1 to i32
    %cond3A = arith.constant 0 : i32
    %cond3A_7 = arith.cmpi ne, %convert_element_type3A, %cond3A : i32
    scf.if %cond3A_7 {
      %get3A_349 = arith.constant 0 : index
      %get3A_350 = arith.constant 0 : index
      %get3A_351 = vector.load %arg2[%get3A_349, %get3A_350] : memref<64x32xf32, #tpu.memory_space<vmem>>, vector<64x1xf32>
      %eq3A = vector.broadcast %sub3A : i32 to vector<64x32768xi32>
      %eq3A_352 = arith.cmpi eq, %iota3A, %eq3A : vector<64x32768xi32>
      %get3A_353 = arith.constant 0 : index
      %get3A_354 = arith.constant 0 : index
      %get3A_355 = vector.load %arg3[%get3A_353, %get3A_354] : memref<64x32768xf32, #tpu.memory_space<vmem>>, vector<64x32768xf32>
      %broadcast_in_dim3A_356 = vector.shape_cast %get3A_351 : vector<64x1xf32> to vector<64x1xf32>
      %broadcast_in_dim3A_357 = vector.broadcast %broadcast_in_dim3A_356 : vector<64x1xf32> to vector<64x32768xf32>
      %select_n3A = arith.select %eq3A_352, %broadcast_in_dim3A_357, %get3A_355 : vector<64x32768xi1>, vector<64x32768xf32>
      %swap3A_358 = arith.constant 0 : index
      %swap3A_359 = arith.constant 0 : index
      %swap3A_360 = vector.load %arg3[%swap3A_358, %swap3A_359] : memref<64x32768xf32, #tpu.memory_space<vmem>>, vector<64x32768xf32>
      tpu.vector_store %arg3[%swap3A_358, %swap3A_359], %select_n3A {strides = array<i32>} : memref<64x32768xf32, #tpu.memory_space<vmem>>, vector<64x32768xf32>,
    } else {
    }
    %get3A_8 = arith.constant 1 : index
    %get3A_9 = memref.load %arg1[%get3A_8] : memref<32xi32, #tpu.memory_space<smem>>
    %sub3A_10 = arith.subi %get3A_9, %mul3A_0 : i32
    %ge3A_11 = arith.constant 0 : i32
    %ge3A_12 = arith.cmpi sge, %sub3A_10, %ge3A_11 : i32
    %lt3A_13 = arith.constant 32768 : i32
    %lt3A_14 = arith.cmpi slt, %sub3A_10, %lt3A_13 : i32
    %and3A_15 = arith.andi %ge3A_12, %lt3A_14 : i1
    %convert_element_type3A_16 = arith.extui %and3A_15 : i1 to i32
    %cond3A_17 = arith.constant 0 : i32
    %cond3A_18 = arith.cmpi ne, %convert_element_type3A_16, %cond3A_17 : i32
    scf.if %cond3A_18 {
      %get3A_349 = arith.constant 0 : index
      %get3A_350 = arith.constant 1 : index
      %get3A_351 = vector.load %arg2[%get3A_349, %get3A_350] : memref<64x32xf32, #tpu.memory_space<vmem>>, vector<64x1xf32>
      %eq3A = vector.broadcast %sub3A_10 : i32 to vector<64x32768xi32>
      %eq3A_352 = arith.cmpi eq, %iota3A, %eq3A : vector<64x32768xi32>
      %get3A_353 = arith.constant 0 : index
      %get3A_354 = arith.constant 0 : index
      %get3A_355 = vector.load %arg3[%get3A_353, %get3A_354] : memref<64x32768xf32, #tpu.memory_space<vmem>>, vector<64x32768xf32>
      %broadcast_in_dim3A_356 = vector.shape_cast %get3A_351 : vector<64x1xf32> to vector<64x1xf32>
      %broadcast_in_dim3A_357 = vector.broadcast %broadcast_in_dim3A_356 : vector<64x1xf32> to vector<64x32768xf32>
      %select_n3A = arith.select %eq3A_352, %broadcast_in_dim3A_357, %get3A_355 : vector<64x32768xi1>, vector<64x32768xf32>
      %swap3A_358 = arith.constant 0 : index
      %swap3A_359 = arith.constant 0 : index
      %swap3A_360 = vector.load %arg3[%swap3A_358, %swap3A_359] : memref<64x32768xf32, #tpu.memory_space<vmem>>, vector<64x32768xf32>
      tpu.vector_store %arg3[%swap3A_358, %swap3A_359], %select_n3A {strides = array<i32>} : memref<64x32768xf32, #tpu.memory_space<vmem>>, vector<64x32768xf32>,
    } else {
    }
    %get3A_19 = arith.constant 2 : index
    %get3A_20 = memref.load %arg1[%get3A_19] : memref<32xi32, #tpu.memory_space<smem>>
    %sub3A_21 = arith.subi %get3A_20, %mul3A_0 : i32
    %ge3A_22 = arith.constant 0 : i32
    %ge3A_23 = arith.cmpi sge, %sub3A_21, %ge3A_22 : i32
    %lt3A_24 = arith.constant 32768 : i32
    %lt3A_25 = arith.cmpi slt, %sub3A_21, %lt3A_24 : i32
    %and3A_26 = arith.andi %ge3A_23, %lt3A_25 : i1
    %convert_element_type3A_27 = arith.extui %and3A_26 : i1 to i32
    %cond3A_28 = arith.constant 0 : i32
    %cond3A_29 = arith.cmpi ne, %convert_element_type3A_27, %cond3A_28 : i32
    scf.if %cond3A_29 {
      %get3A_349 = arith.constant 0 : index
      %get3A_350 = arith.constant 2 : index
      %get3A_351 = vector.load %arg2[%get3A_349, %get3A_350] : memref<64x32xf32, #tpu.memory_space<vmem>>, vector<64x1xf32>
      %eq3A = vector.broadcast %sub3A_21 : i32 to vector<64x32768xi32>
      %eq3A_352 = arith.cmpi eq, %iota3A, %eq3A : vector<64x32768xi32>
      %get3A_353 = arith.constant 0 : index
      %get3A_354 = arith.constant 0 : index
      %get3A_355 = vector.load %arg3[%get3A_353, %get3A_354] : memref<64x32768xf32, #tpu.memory_space<vmem>>, vector<64x32768xf32>
      %broadcast_in_dim3A_356 = vector.shape_cast %get3A_351 : vector<64x1xf32> to vector<64x1xf32>
      %broadcast_in_dim3A_357 = vector.broadcast %broadcast_in_dim3A_356 : vector<64x1xf32> to vector<64x32768xf32>
      %select_n3A = arith.select %eq3A_352, %broadcast_in_dim3A_357, %get3A_355 : vector<64x32768xi1>, vector<64x32768xf32>
      %swap3A_358 = arith.constant 0 : index
      %swap3A_359 = arith.constant 0 : index
      %swap3A_360 = vector.load %arg3[%swap3A_358, %swap3A_359] : memref<64x32768xf32, #tpu.memory_space<vmem>>, vector<64x32768xf32>
      tpu.vector_store %arg3[%swap3A_358, %swap3A_359], %select_n3A {strides = array<i32>} : memref<64x32768xf32, #tpu.memory_space<vmem>>, vector<64x32768xf32>,
    } else {
    }
    %get3A_30 = arith.constant 3 : index
    %get3A_31 = memref.load %arg1[%get3A_30] : memref<32xi32, #tpu.memory_space<smem>>
    %sub3A_32 = arith.subi %get3A_31, %mul3A_0 : i32
    %ge3A_33 = arith.constant 0 : i32
    %ge3A_34 = arith.cmpi sge, %sub3A_32, %ge3A_33 : i32
    %lt3A_35 = arith.constant 32768 : i32
    %lt3A_36 = arith.cmpi slt, %sub3A_32, %lt3A_35 : i32
    %and3A_37 = arith.andi %ge3A_34, %lt3A_36 : i1
    %convert_element_type3A_38 = arith.extui %and3A_37 : i1 to i32
    %cond3A_39 = arith.constant 0 : i32
    %cond3A_40 = arith.cmpi ne, %convert_element_type3A_38, %cond3A_39 : i32
    scf.if %cond3A_40 {
      %get3A_349 = arith.constant 0 : index
      %get3A_350 = arith.constant 3 : index
      %get3A_351 = vector.load %arg2[%get3A_349, %get3A_350] : memref<64x32xf32, #tpu.memory_space<vmem>>, vector<64x1xf32>
      %eq3A = vector.broadcast %sub3A_32 : i32 to vector<64x32768xi32>
      %eq3A_352 = arith.cmpi eq, %iota3A, %eq3A : vector<64x32768xi32>
      %get3A_353 = arith.constant 0 : index
      %get3A_354 = arith.constant 0 : index
      %get3A_355 = vector.load %arg3[%get3A_353, %get3A_354] : memref<64x32768xf32, #tpu.memory_space<vmem>>, vector<64x32768xf32>
      %broadcast_in_dim3A_356 = vector.shape_cast %get3A_351 : vector<64x1xf32> to vector<64x1xf32>
      %broadcast_in_dim3A_357 = vector.broadcast %broadcast_in_dim3A_356 : vector<64x1xf32> to vector<64x32768xf32>
      %select_n3A = arith.select %eq3A_352, %broadcast_in_dim3A_357, %get3A_355 : vector<64x32768xi1>, vector<64x32768xf32>
      %swap3A_358 = arith.constant 0 : index
      %swap3A_359 = arith.constant 0 : index
      %swap3A_360 = vector.load %arg3[%swap3A_358, %swap3A_359] : memref<64x32768xf32, #tpu.memory_space<vmem>>, vector<64x32768xf32>
      tpu.vector_store %arg3[%swap3A_358, %swap3A_359], %select_n3A {strides = array<i32>} : memref<64x32768xf32, #tpu.memory_space<vmem>>, vector<64x32768xf32>,
    } else {
    }
    %get3A_41 = arith.constant 4 : index
    %get3A_42 = memref.load %arg1[%get3A_41] : memref<32xi32, #tpu.memory_space<smem>>
    %sub3A_43 = arith.subi %get3A_42, %mul3A_0 : i32
    %ge3A_44 = arith.constant 0 : i32
    %ge3A_45 = arith.cmpi sge, %sub3A_43, %ge3A_44 : i32
    %lt3A_46 = arith.constant 32768 : i32
    %lt3A_47 = arith.cmpi slt, %sub3A_43, %lt3A_46 : i32
    %and3A_48 = arith.andi %ge3A_45, %lt3A_47 : i1
    %convert_element_type3A_49 = arith.extui %and3A_48 : i1 to i32
    %cond3A_50 = arith.constant 0 : i32
    %cond3A_51 = arith.cmpi ne, %convert_element_type3A_49, %cond3A_50 : i32
    scf.if %cond3A_51 {
      %get3A_349 = arith.constant 0 : index
      %get3A_350 = arith.constant 4 : index
      %get3A_351 = vector.load %arg2[%get3A_349, %get3A_350] : memref<64x32xf32, #tpu.memory_space<vmem>>, vector<64x1xf32>
      %eq3A = vector.broadcast %sub3A_43 : i32 to vector<64x32768xi32>
      %eq3A_352 = arith.cmpi eq, %iota3A, %eq3A : vector<64x32768xi32>
      %get3A_353 = arith.constant 0 : index
      %get3A_354 = arith.constant 0 : index
      %get3A_355 = vector.load %arg3[%get3A_353, %get3A_354] : memref<64x32768xf32, #tpu.memory_space<vmem>>, vector<64x32768xf32>
      %broadcast_in_dim3A_356 = vector.shape_cast %get3A_351 : vector<64x1xf32> to vector<64x1xf32>
      %broadcast_in_dim3A_357 = vector.broadcast %broadcast_in_dim3A_356 : vector<64x1xf32> to vector<64x32768xf32>
      %select_n3A = arith.select %eq3A_352, %broadcast_in_dim3A_357, %get3A_355 : vector<64x32768xi1>, vector<64x32768xf32>
      %swap3A_358 = arith.constant 0 : index
      %swap3A_359 = arith.constant 0 : index
      %swap3A_360 = vector.load %arg3[%swap3A_358, %swap3A_359] : memref<64x32768xf32, #tpu.memory_space<vmem>>, vector<64x32768xf32>
      tpu.vector_store %arg3[%swap3A_358, %swap3A_359], %select_n3A {strides = array<i32>} : memref<64x32768xf32, #tpu.memory_space<vmem>>, vector<64x32768xf32>,
    } else {
    }
    %get3A_52 = arith.constant 5 : index
    %get3A_53 = memref.load %arg1[%get3A_52] : memref<32xi32, #tpu.memory_space<smem>>
    %sub3A_54 = arith.subi %get3A_53, %mul3A_0 : i32
    %ge3A_55 = arith.constant 0 : i32
    %ge3A_56 = arith.cmpi sge, %sub3A_54, %ge3A_55 : i32
    %lt3A_57 = arith.constant 32768 : i32
    %lt3A_58 = arith.cmpi slt, %sub3A_54, %lt3A_57 : i32
    %and3A_59 = arith.andi %ge3A_56, %lt3A_58 : i1
    %convert_element_type3A_60 = arith.extui %and3A_59 : i1 to i32
    %cond3A_61 = arith.constant 0 : i32
    %cond3A_62 = arith.cmpi ne, %convert_element_type3A_60, %cond3A_61 : i32
    scf.if %cond3A_62 {
      %get3A_349 = arith.constant 0 : index
      %get3A_350 = arith.constant 5 : index
      %get3A_351 = vector.load %arg2[%get3A_349, %get3A_350] : memref<64x32xf32, #tpu.memory_space<vmem>>, vector<64x1xf32>
      %eq3A = vector.broadcast %sub3A_54 : i32 to vector<64x32768xi32>
      %eq3A_352 = arith.cmpi eq, %iota3A, %eq3A : vector<64x32768xi32>
      %get3A_353 = arith.constant 0 : index
      %get3A_354 = arith.constant 0 : index
      %get3A_355 = vector.load %arg3[%get3A_353, %get3A_354] : memref<64x32768xf32, #tpu.memory_space<vmem>>, vector<64x32768xf32>
      %broadcast_in_dim3A_356 = vector.shape_cast %get3A_351 : vector<64x1xf32> to vector<64x1xf32>
      %broadcast_in_dim3A_357 = vector.broadcast %broadcast_in_dim3A_356 : vector<64x1xf32> to vector<64x32768xf32>
      %select_n3A = arith.select %eq3A_352, %broadcast_in_dim3A_357, %get3A_355 : vector<64x32768xi1>, vector<64x32768xf32>
      %swap3A_358 = arith.constant 0 : index
      %swap3A_359 = arith.constant 0 : index
      %swap3A_360 = vector.load %arg3[%swap3A_358, %swap3A_359] : memref<64x32768xf32, #tpu.memory_space<vmem>>, vector<64x32768xf32>
      tpu.vector_store %arg3[%swap3A_358, %swap3A_359], %select_n3A {strides = array<i32>} : memref<64x32768xf32, #tpu.memory_space<vmem>>, vector<64x32768xf32>,
    } else {
    }
    %get3A_63 = arith.constant 6 : index
    %get3A_64 = memref.load %arg1[%get3A_63] : memref<32xi32, #tpu.memory_space<smem>>
    %sub3A_65 = arith.subi %get3A_64, %mul3A_0 : i32
    %ge3A_66 = arith.constant 0 : i32
    %ge3A_67 = arith.cmpi sge, %sub3A_65, %ge3A_66 : i32
    %lt3A_68 = arith.constant 32768 : i32
    %lt3A_69 = arith.cmpi slt, %sub3A_65, %lt3A_68 : i32
    %and3A_70 = arith.andi %ge3A_67, %lt3A_69 : i1
    %convert_element_type3A_71 = arith.extui %and3A_70 : i1 to i32
    %cond3A_72 = arith.constant 0 : i32
    %cond3A_73 = arith.cmpi ne, %convert_element_type3A_71, %cond3A_72 : i32
    scf.if %cond3A_73 {
      %get3A_349 = arith.constant 0 : index
      %get3A_350 = arith.constant 6 : index
      %get3A_351 = vector.load %arg2[%get3A_349, %get3A_350] : memref<64x32xf32, #tpu.memory_space<vmem>>, vector<64x1xf32>
      %eq3A = vector.broadcast %sub3A_65 : i32 to vector<64x32768xi32>
      %eq3A_352 = arith.cmpi eq, %iota3A, %eq3A : vector<64x32768xi32>
      %get3A_353 = arith.constant 0 : index
      %get3A_354 = arith.constant 0 : index
      %get3A_355 = vector.load %arg3[%get3A_353, %get3A_354] : memref<64x32768xf32, #tpu.memory_space<vmem>>, vector<64x32768xf32>
      %broadcast_in_dim3A_356 = vector.shape_cast %get3A_351 : vector<64x1xf32> to vector<64x1xf32>
      %broadcast_in_dim3A_357 = vector.broadcast %broadcast_in_dim3A_356 : vector<64x1xf32> to vector<64x32768xf32>
      %select_n3A = arith.select %eq3A_352, %broadcast_in_dim3A_357, %get3A_355 : vector<64x32768xi1>, vector<64x32768xf32>
      %swap3A_358 = arith.constant 0 : index
      %swap3A_359 = arith.constant 0 : index
      %swap3A_360 = vector.load %arg3[%swap3A_358, %swap3A_359] : memref<64x32768xf32, #tpu.memory_space<vmem>>, vector<64x32768xf32>
      tpu.vector_store %arg3[%swap3A_358, %swap3A_359], %select_n3A {strides = array<i32>} : memref<64x32768xf32, #tpu.memory_space<vmem>>, vector<64x32768xf32>,
    } else {
    }
    %get3A_74 = arith.constant 7 : index
    %get3A_75 = memref.load %arg1[%get3A_74] : memref<32xi32, #tpu.memory_space<smem>>
    %sub3A_76 = arith.subi %get3A_75, %mul3A_0 : i32
    %ge3A_77 = arith.constant 0 : i32
    %ge3A_78 = arith.cmpi sge, %sub3A_76, %ge3A_77 : i32
    %lt3A_79 = arith.constant 32768 : i32
    %lt3A_80 = arith.cmpi slt, %sub3A_76, %lt3A_79 : i32
    %and3A_81 = arith.andi %ge3A_78, %lt3A_80 : i1
    %convert_element_type3A_82 = arith.extui %and3A_81 : i1 to i32
    %cond3A_83 = arith.constant 0 : i32
    %cond3A_84 = arith.cmpi ne, %convert_element_type3A_82, %cond3A_83 : i32
    scf.if %cond3A_84 {
      %get3A_349 = arith.constant 0 : index
      %get3A_350 = arith.constant 7 : index
      %get3A_351 = vector.load %arg2[%get3A_349, %get3A_350] : memref<64x32xf32, #tpu.memory_space<vmem>>, vector<64x1xf32>
      %eq3A = vector.broadcast %sub3A_76 : i32 to vector<64x32768xi32>
      %eq3A_352 = arith.cmpi eq, %iota3A, %eq3A : vector<64x32768xi32>
      %get3A_353 = arith.constant 0 : index
      %get3A_354 = arith.constant 0 : index
      %get3A_355 = vector.load %arg3[%get3A_353, %get3A_354] : memref<64x32768xf32, #tpu.memory_space<vmem>>, vector<64x32768xf32>
      %broadcast_in_dim3A_356 = vector.shape_cast %get3A_351 : vector<64x1xf32> to vector<64x1xf32>
      %broadcast_in_dim3A_357 = vector.broadcast %broadcast_in_dim3A_356 : vector<64x1xf32> to vector<64x32768xf32>
      %select_n3A = arith.select %eq3A_352, %broadcast_in_dim3A_357, %get3A_355 : vector<64x32768xi1>, vector<64x32768xf32>
      %swap3A_358 = arith.constant 0 : index
      %swap3A_359 = arith.constant 0 : index
      %swap3A_360 = vector.load %arg3[%swap3A_358, %swap3A_359] : memref<64x32768xf32, #tpu.memory_space<vmem>>, vector<64x32768xf32>
      tpu.vector_store %arg3[%swap3A_358, %swap3A_359], %select_n3A {strides = array<i32>} : memref<64x32768xf32, #tpu.memory_space<vmem>>, vector<64x32768xf32>,
    } else {
    }
    %get3A_85 = arith.constant 8 : index
    %get3A_86 = memref.load %arg1[%get3A_85] : memref<32xi32, #tpu.memory_space<smem>>
    %sub3A_87 = arith.subi %get3A_86, %mul3A_0 : i32
    %ge3A_88 = arith.constant 0 : i32
    %ge3A_89 = arith.cmpi sge, %sub3A_87, %ge3A_88 : i32
    %lt3A_90 = arith.constant 32768 : i32
    %lt3A_91 = arith.cmpi slt, %sub3A_87, %lt3A_90 : i32
    %and3A_92 = arith.andi %ge3A_89, %lt3A_91 : i1
    %convert_element_type3A_93 = arith.extui %and3A_92 : i1 to i32
    %cond3A_94 = arith.constant 0 : i32
    %cond3A_95 = arith.cmpi ne, %convert_element_type3A_93, %cond3A_94 : i32
    scf.if %cond3A_95 {
      %get3A_349 = arith.constant 0 : index
      %get3A_350 = arith.constant 8 : index
      %get3A_351 = vector.load %arg2[%get3A_349, %get3A_350] : memref<64x32xf32, #tpu.memory_space<vmem>>, vector<64x1xf32>
      %eq3A = vector.broadcast %sub3A_87 : i32 to vector<64x32768xi32>
      %eq3A_352 = arith.cmpi eq, %iota3A, %eq3A : vector<64x32768xi32>
      %get3A_353 = arith.constant 0 : index
      %get3A_354 = arith.constant 0 : index
      %get3A_355 = vector.load %arg3[%get3A_353, %get3A_354] : memref<64x32768xf32, #tpu.memory_space<vmem>>, vector<64x32768xf32>
      %broadcast_in_dim3A_356 = vector.shape_cast %get3A_351 : vector<64x1xf32> to vector<64x1xf32>
      %broadcast_in_dim3A_357 = vector.broadcast %broadcast_in_dim3A_356 : vector<64x1xf32> to vector<64x32768xf32>
      %select_n3A = arith.select %eq3A_352, %broadcast_in_dim3A_357, %get3A_355 : vector<64x32768xi1>, vector<64x32768xf32>
      %swap3A_358 = arith.constant 0 : index
      %swap3A_359 = arith.constant 0 : index
      %swap3A_360 = vector.load %arg3[%swap3A_358, %swap3A_359] : memref<64x32768xf32, #tpu.memory_space<vmem>>, vector<64x32768xf32>
      tpu.vector_store %arg3[%swap3A_358, %swap3A_359], %select_n3A {strides = array<i32>} : memref<64x32768xf32, #tpu.memory_space<vmem>>, vector<64x32768xf32>,
    } else {
    }
    %get3A_96 = arith.constant 9 : index
    %get3A_97 = memref.load %arg1[%get3A_96] : memref<32xi32, #tpu.memory_space<smem>>
    %sub3A_98 = arith.subi %get3A_97, %mul3A_0 : i32
    %ge3A_99 = arith.constant 0 : i32
    %ge3A_100 = arith.cmpi sge, %sub3A_98, %ge3A_99 : i32
    %lt3A_101 = arith.constant 32768 : i32
    %lt3A_102 = arith.cmpi slt, %sub3A_98, %lt3A_101 : i32
    %and3A_103 = arith.andi %ge3A_100, %lt3A_102 : i1
    %convert_element_type3A_104 = arith.extui %and3A_103 : i1 to i32
    %cond3A_105 = arith.constant 0 : i32
    %cond3A_106 = arith.cmpi ne, %convert_element_type3A_104, %cond3A_105 : i32
    scf.if %cond3A_106 {
      %get3A_349 = arith.constant 0 : index
      %get3A_350 = arith.constant 9 : index
      %get3A_351 = vector.load %arg2[%get3A_349, %get3A_350] : memref<64x32xf32, #tpu.memory_space<vmem>>, vector<64x1xf32>
      %eq3A = vector.broadcast %sub3A_98 : i32 to vector<64x32768xi32>
      %eq3A_352 = arith.cmpi eq, %iota3A, %eq3A : vector<64x32768xi32>
      %get3A_353 = arith.constant 0 : index
      %get3A_354 = arith.constant 0 : index
      %get3A_355 = vector.load %arg3[%get3A_353, %get3A_354] : memref<64x32768xf32, #tpu.memory_space<vmem>>, vector<64x32768xf32>
      %broadcast_in_dim3A_356 = vector.shape_cast %get3A_351 : vector<64x1xf32> to vector<64x1xf32>
      %broadcast_in_dim3A_357 = vector.broadcast %broadcast_in_dim3A_356 : vector<64x1xf32> to vector<64x32768xf32>
      %select_n3A = arith.select %eq3A_352, %broadcast_in_dim3A_357, %get3A_355 : vector<64x32768xi1>, vector<64x32768xf32>
      %swap3A_358 = arith.constant 0 : index
      %swap3A_359 = arith.constant 0 : index
      %swap3A_360 = vector.load %arg3[%swap3A_358, %swap3A_359] : memref<64x32768xf32, #tpu.memory_space<vmem>>, vector<64x32768xf32>
      tpu.vector_store %arg3[%swap3A_358, %swap3A_359], %select_n3A {strides = array<i32>} : memref<64x32768xf32, #tpu.memory_space<vmem>>, vector<64x32768xf32>,
    } else {
    }
    %get3A_107 = arith.constant 10 : index
    %get3A_108 = memref.load %arg1[%get3A_107] : memref<32xi32, #tpu.memory_space<smem>>
    %sub3A_109 = arith.subi %get3A_108, %mul3A_0 : i32
    %ge3A_110 = arith.constant 0 : i32
    %ge3A_111 = arith.cmpi sge, %sub3A_109, %ge3A_110 : i32
    %lt3A_112 = arith.constant 32768 : i32
    %lt3A_113 = arith.cmpi slt, %sub3A_109, %lt3A_112 : i32
    %and3A_114 = arith.andi %ge3A_111, %lt3A_113 : i1
    %convert_element_type3A_115 = arith.extui %and3A_114 : i1 to i32
    %cond3A_116 = arith.constant 0 : i32
    %cond3A_117 = arith.cmpi ne, %convert_element_type3A_115, %cond3A_116 : i32
    scf.if %cond3A_117 {
      %get3A_349 = arith.constant 0 : index
      %get3A_350 = arith.constant 10 : index
      %get3A_351 = vector.load %arg2[%get3A_349, %get3A_350] : memref<64x32xf32, #tpu.memory_space<vmem>>, vector<64x1xf32>
      %eq3A = vector.broadcast %sub3A_109 : i32 to vector<64x32768xi32>
      %eq3A_352 = arith.cmpi eq, %iota3A, %eq3A : vector<64x32768xi32>
      %get3A_353 = arith.constant 0 : index
      %get3A_354 = arith.constant 0 : index
      %get3A_355 = vector.load %arg3[%get3A_353, %get3A_354] : memref<64x32768xf32, #tpu.memory_space<vmem>>, vector<64x32768xf32>
      %broadcast_in_dim3A_356 = vector.shape_cast %get3A_351 : vector<64x1xf32> to vector<64x1xf32>
      %broadcast_in_dim3A_357 = vector.broadcast %broadcast_in_dim3A_356 : vector<64x1xf32> to vector<64x32768xf32>
      %select_n3A = arith.select %eq3A_352, %broadcast_in_dim3A_357, %get3A_355 : vector<64x32768xi1>, vector<64x32768xf32>
      %swap3A_358 = arith.constant 0 : index
      %swap3A_359 = arith.constant 0 : index
      %swap3A_360 = vector.load %arg3[%swap3A_358, %swap3A_359] : memref<64x32768xf32, #tpu.memory_space<vmem>>, vector<64x32768xf32>
      tpu.vector_store %arg3[%swap3A_358, %swap3A_359], %select_n3A {strides = array<i32>} : memref<64x32768xf32, #tpu.memory_space<vmem>>, vector<64x32768xf32>,
    } else {
    }
    %get3A_118 = arith.constant 11 : index
    %get3A_119 = memref.load %arg1[%get3A_118] : memref<32xi32, #tpu.memory_space<smem>>
    %sub3A_120 = arith.subi %get3A_119, %mul3A_0 : i32
    %ge3A_121 = arith.constant 0 : i32
    %ge3A_122 = arith.cmpi sge, %sub3A_120, %ge3A_121 : i32
    %lt3A_123 = arith.constant 32768 : i32
    %lt3A_124 = arith.cmpi slt, %sub3A_120, %lt3A_123 : i32
    %and3A_125 = arith.andi %ge3A_122, %lt3A_124 : i1
    %convert_element_type3A_126 = arith.extui %and3A_125 : i1 to i32
    %cond3A_127 = arith.constant 0 : i32
    %cond3A_128 = arith.cmpi ne, %convert_element_type3A_126, %cond3A_127 : i32
    scf.if %cond3A_128 {
      %get3A_349 = arith.constant 0 : index
      %get3A_350 = arith.constant 11 : index
      %get3A_351 = vector.load %arg2[%get3A_349, %get3A_350] : memref<64x32xf32, #tpu.memory_space<vmem>>, vector<64x1xf32>
      %eq3A = vector.broadcast %sub3A_120 : i32 to vector<64x32768xi32>
      %eq3A_352 = arith.cmpi eq, %iota3A, %eq3A : vector<64x32768xi32>
      %get3A_353 = arith.constant 0 : index
      %get3A_354 = arith.constant 0 : index
      %get3A_355 = vector.load %arg3[%get3A_353, %get3A_354] : memref<64x32768xf32, #tpu.memory_space<vmem>>, vector<64x32768xf32>
      %broadcast_in_dim3A_356 = vector.shape_cast %get3A_351 : vector<64x1xf32> to vector<64x1xf32>
      %broadcast_in_dim3A_357 = vector.broadcast %broadcast_in_dim3A_356 : vector<64x1xf32> to vector<64x32768xf32>
      %select_n3A = arith.select %eq3A_352, %broadcast_in_dim3A_357, %get3A_355 : vector<64x32768xi1>, vector<64x32768xf32>
      %swap3A_358 = arith.constant 0 : index
      %swap3A_359 = arith.constant 0 : index
      %swap3A_360 = vector.load %arg3[%swap3A_358, %swap3A_359] : memref<64x32768xf32, #tpu.memory_space<vmem>>, vector<64x32768xf32>
      tpu.vector_store %arg3[%swap3A_358, %swap3A_359], %select_n3A {strides = array<i32>} : memref<64x32768xf32, #tpu.memory_space<vmem>>, vector<64x32768xf32>,
    } else {
    }
    %get3A_129 = arith.constant 12 : index
    %get3A_130 = memref.load %arg1[%get3A_129] : memref<32xi32, #tpu.memory_space<smem>>
    %sub3A_131 = arith.subi %get3A_130, %mul3A_0 : i32
    %ge3A_132 = arith.constant 0 : i32
    %ge3A_133 = arith.cmpi sge, %sub3A_131, %ge3A_132 : i32
    %lt3A_134 = arith.constant 32768 : i32
    %lt3A_135 = arith.cmpi slt, %sub3A_131, %lt3A_134 : i32
    %and3A_136 = arith.andi %ge3A_133, %lt3A_135 : i1
    %convert_element_type3A_137 = arith.extui %and3A_136 : i1 to i32
    %cond3A_138 = arith.constant 0 : i32
    %cond3A_139 = arith.cmpi ne, %convert_element_type3A_137, %cond3A_138 : i32
    scf.if %cond3A_139 {
      %get3A_349 = arith.constant 0 : index
      %get3A_350 = arith.constant 12 : index
      %get3A_351 = vector.load %arg2[%get3A_349, %get3A_350] : memref<64x32xf32, #tpu.memory_space<vmem>>, vector<64x1xf32>
      %eq3A = vector.broadcast %sub3A_131 : i32 to vector<64x32768xi32>
      %eq3A_352 = arith.cmpi eq, %iota3A, %eq3A : vector<64x32768xi32>
      %get3A_353 = arith.constant 0 : index
      %get3A_354 = arith.constant 0 : index
      %get3A_355 = vector.load %arg3[%get3A_353, %get3A_354] : memref<64x32768xf32, #tpu.memory_space<vmem>>, vector<64x32768xf32>
      %broadcast_in_dim3A_356 = vector.shape_cast %get3A_351 : vector<64x1xf32> to vector<64x1xf32>
      %broadcast_in_dim3A_357 = vector.broadcast %broadcast_in_dim3A_356 : vector<64x1xf32> to vector<64x32768xf32>
      %select_n3A = arith.select %eq3A_352, %broadcast_in_dim3A_357, %get3A_355 : vector<64x32768xi1>, vector<64x32768xf32>
      %swap3A_358 = arith.constant 0 : index
      %swap3A_359 = arith.constant 0 : index
      %swap3A_360 = vector.load %arg3[%swap3A_358, %swap3A_359] : memref<64x32768xf32, #tpu.memory_space<vmem>>, vector<64x32768xf32>
      tpu.vector_store %arg3[%swap3A_358, %swap3A_359], %select_n3A {strides = array<i32>} : memref<64x32768xf32, #tpu.memory_space<vmem>>, vector<64x32768xf32>,
    } else {
    }
    %get3A_140 = arith.constant 13 : index
    %get3A_141 = memref.load %arg1[%get3A_140] : memref<32xi32, #tpu.memory_space<smem>>
    %sub3A_142 = arith.subi %get3A_141, %mul3A_0 : i32
    %ge3A_143 = arith.constant 0 : i32
    %ge3A_144 = arith.cmpi sge, %sub3A_142, %ge3A_143 : i32
    %lt3A_145 = arith.constant 32768 : i32
    %lt3A_146 = arith.cmpi slt, %sub3A_142, %lt3A_145 : i32
    %and3A_147 = arith.andi %ge3A_144, %lt3A_146 : i1
    %convert_element_type3A_148 = arith.extui %and3A_147 : i1 to i32
    %cond3A_149 = arith.constant 0 : i32
    %cond3A_150 = arith.cmpi ne, %convert_element_type3A_148, %cond3A_149 : i32
    scf.if %cond3A_150 {
      %get3A_349 = arith.constant 0 : index
      %get3A_350 = arith.constant 13 : index
      %get3A_351 = vector.load %arg2[%get3A_349, %get3A_350] : memref<64x32xf32, #tpu.memory_space<vmem>>, vector<64x1xf32>
      %eq3A = vector.broadcast %sub3A_142 : i32 to vector<64x32768xi32>
      %eq3A_352 = arith.cmpi eq, %iota3A, %eq3A : vector<64x32768xi32>
      %get3A_353 = arith.constant 0 : index
      %get3A_354 = arith.constant 0 : index
      %get3A_355 = vector.load %arg3[%get3A_353, %get3A_354] : memref<64x32768xf32, #tpu.memory_space<vmem>>, vector<64x32768xf32>
      %broadcast_in_dim3A_356 = vector.shape_cast %get3A_351 : vector<64x1xf32> to vector<64x1xf32>
      %broadcast_in_dim3A_357 = vector.broadcast %broadcast_in_dim3A_356 : vector<64x1xf32> to vector<64x32768xf32>
      %select_n3A = arith.select %eq3A_352, %broadcast_in_dim3A_357, %get3A_355 : vector<64x32768xi1>, vector<64x32768xf32>
      %swap3A_358 = arith.constant 0 : index
      %swap3A_359 = arith.constant 0 : index
      %swap3A_360 = vector.load %arg3[%swap3A_358, %swap3A_359] : memref<64x32768xf32, #tpu.memory_space<vmem>>, vector<64x32768xf32>
      tpu.vector_store %arg3[%swap3A_358, %swap3A_359], %select_n3A {strides = array<i32>} : memref<64x32768xf32, #tpu.memory_space<vmem>>, vector<64x32768xf32>,
    } else {
    }
    %get3A_151 = arith.constant 14 : index
    %get3A_152 = memref.load %arg1[%get3A_151] : memref<32xi32, #tpu.memory_space<smem>>
    %sub3A_153 = arith.subi %get3A_152, %mul3A_0 : i32
    %ge3A_154 = arith.constant 0 : i32
    %ge3A_155 = arith.cmpi sge, %sub3A_153, %ge3A_154 : i32
    %lt3A_156 = arith.constant 32768 : i32
    %lt3A_157 = arith.cmpi slt, %sub3A_153, %lt3A_156 : i32
    %and3A_158 = arith.andi %ge3A_155, %lt3A_157 : i1
    %convert_element_type3A_159 = arith.extui %and3A_158 : i1 to i32
    %cond3A_160 = arith.constant 0 : i32
    %cond3A_161 = arith.cmpi ne, %convert_element_type3A_159, %cond3A_160 : i32
    scf.if %cond3A_161 {
      %get3A_349 = arith.constant 0 : index
      %get3A_350 = arith.constant 14 : index
      %get3A_351 = vector.load %arg2[%get3A_349, %get3A_350] : memref<64x32xf32, #tpu.memory_space<vmem>>, vector<64x1xf32>
      %eq3A = vector.broadcast %sub3A_153 : i32 to vector<64x32768xi32>
      %eq3A_352 = arith.cmpi eq, %iota3A, %eq3A : vector<64x32768xi32>
      %get3A_353 = arith.constant 0 : index
      %get3A_354 = arith.constant 0 : index
      %get3A_355 = vector.load %arg3[%get3A_353, %get3A_354] : memref<64x32768xf32, #tpu.memory_space<vmem>>, vector<64x32768xf32>
      %broadcast_in_dim3A_356 = vector.shape_cast %get3A_351 : vector<64x1xf32> to vector<64x1xf32>
      %broadcast_in_dim3A_357 = vector.broadcast %broadcast_in_dim3A_356 : vector<64x1xf32> to vector<64x32768xf32>
      %select_n3A = arith.select %eq3A_352, %broadcast_in_dim3A_357, %get3A_355 : vector<64x32768xi1>, vector<64x32768xf32>
      %swap3A_358 = arith.constant 0 : index
      %swap3A_359 = arith.constant 0 : index
      %swap3A_360 = vector.load %arg3[%swap3A_358, %swap3A_359] : memref<64x32768xf32, #tpu.memory_space<vmem>>, vector<64x32768xf32>
      tpu.vector_store %arg3[%swap3A_358, %swap3A_359], %select_n3A {strides = array<i32>} : memref<64x32768xf32, #tpu.memory_space<vmem>>, vector<64x32768xf32>,
    } else {
    }
    %get3A_162 = arith.constant 15 : index
    %get3A_163 = memref.load %arg1[%get3A_162] : memref<32xi32, #tpu.memory_space<smem>>
    %sub3A_164 = arith.subi %get3A_163, %mul3A_0 : i32
    %ge3A_165 = arith.constant 0 : i32
    %ge3A_166 = arith.cmpi sge, %sub3A_164, %ge3A_165 : i32
    %lt3A_167 = arith.constant 32768 : i32
    %lt3A_168 = arith.cmpi slt, %sub3A_164, %lt3A_167 : i32
    %and3A_169 = arith.andi %ge3A_166, %lt3A_168 : i1
    %convert_element_type3A_170 = arith.extui %and3A_169 : i1 to i32
    %cond3A_171 = arith.constant 0 : i32
    %cond3A_172 = arith.cmpi ne, %convert_element_type3A_170, %cond3A_171 : i32
    scf.if %cond3A_172 {
      %get3A_349 = arith.constant 0 : index
      %get3A_350 = arith.constant 15 : index
      %get3A_351 = vector.load %arg2[%get3A_349, %get3A_350] : memref<64x32xf32, #tpu.memory_space<vmem>>, vector<64x1xf32>
      %eq3A = vector.broadcast %sub3A_164 : i32 to vector<64x32768xi32>
      %eq3A_352 = arith.cmpi eq, %iota3A, %eq3A : vector<64x32768xi32>
      %get3A_353 = arith.constant 0 : index
      %get3A_354 = arith.constant 0 : index
      %get3A_355 = vector.load %arg3[%get3A_353, %get3A_354] : memref<64x32768xf32, #tpu.memory_space<vmem>>, vector<64x32768xf32>
      %broadcast_in_dim3A_356 = vector.shape_cast %get3A_351 : vector<64x1xf32> to vector<64x1xf32>
      %broadcast_in_dim3A_357 = vector.broadcast %broadcast_in_dim3A_356 : vector<64x1xf32> to vector<64x32768xf32>
      %select_n3A = arith.select %eq3A_352, %broadcast_in_dim3A_357, %get3A_355 : vector<64x32768xi1>, vector<64x32768xf32>
      %swap3A_358 = arith.constant 0 : index
      %swap3A_359 = arith.constant 0 : index
      %swap3A_360 = vector.load %arg3[%swap3A_358, %swap3A_359] : memref<64x32768xf32, #tpu.memory_space<vmem>>, vector<64x32768xf32>
      tpu.vector_store %arg3[%swap3A_358, %swap3A_359], %select_n3A {strides = array<i32>} : memref<64x32768xf32, #tpu.memory_space<vmem>>, vector<64x32768xf32>,
    } else {
    }
    %get3A_173 = arith.constant 16 : index
    %get3A_174 = memref.load %arg1[%get3A_173] : memref<32xi32, #tpu.memory_space<smem>>
    %sub3A_175 = arith.subi %get3A_174, %mul3A_0 : i32
    %ge3A_176 = arith.constant 0 : i32
    %ge3A_177 = arith.cmpi sge, %sub3A_175, %ge3A_176 : i32
    %lt3A_178 = arith.constant 32768 : i32
    %lt3A_179 = arith.cmpi slt, %sub3A_175, %lt3A_178 : i32
    %and3A_180 = arith.andi %ge3A_177, %lt3A_179 : i1
    %convert_element_type3A_181 = arith.extui %and3A_180 : i1 to i32
    %cond3A_182 = arith.constant 0 : i32
    %cond3A_183 = arith.cmpi ne, %convert_element_type3A_181, %cond3A_182 : i32
    scf.if %cond3A_183 {
      %get3A_349 = arith.constant 0 : index
      %get3A_350 = arith.constant 16 : index
      %get3A_351 = vector.load %arg2[%get3A_349, %get3A_350] : memref<64x32xf32, #tpu.memory_space<vmem>>, vector<64x1xf32>
      %eq3A = vector.broadcast %sub3A_175 : i32 to vector<64x32768xi32>
      %eq3A_352 = arith.cmpi eq, %iota3A, %eq3A : vector<64x32768xi32>
      %get3A_353 = arith.constant 0 : index
      %get3A_354 = arith.constant 0 : index
      %get3A_355 = vector.load %arg3[%get3A_353, %get3A_354] : memref<64x32768xf32, #tpu.memory_space<vmem>>, vector<64x32768xf32>
      %broadcast_in_dim3A_356 = vector.shape_cast %get3A_351 : vector<64x1xf32> to vector<64x1xf32>
      %broadcast_in_dim3A_357 = vector.broadcast %broadcast_in_dim3A_356 : vector<64x1xf32> to vector<64x32768xf32>
      %select_n3A = arith.select %eq3A_352, %broadcast_in_dim3A_357, %get3A_355 : vector<64x32768xi1>, vector<64x32768xf32>
      %swap3A_358 = arith.constant 0 : index
      %swap3A_359 = arith.constant 0 : index
      %swap3A_360 = vector.load %arg3[%swap3A_358, %swap3A_359] : memref<64x32768xf32, #tpu.memory_space<vmem>>, vector<64x32768xf32>
      tpu.vector_store %arg3[%swap3A_358, %swap3A_359], %select_n3A {strides = array<i32>} : memref<64x32768xf32, #tpu.memory_space<vmem>>, vector<64x32768xf32>,
    } else {
    }
    %get3A_184 = arith.constant 17 : index
    %get3A_185 = memref.load %arg1[%get3A_184] : memref<32xi32, #tpu.memory_space<smem>>
    %sub3A_186 = arith.subi %get3A_185, %mul3A_0 : i32
    %ge3A_187 = arith.constant 0 : i32
    %ge3A_188 = arith.cmpi sge, %sub3A_186, %ge3A_187 : i32
    %lt3A_189 = arith.constant 32768 : i32
    %lt3A_190 = arith.cmpi slt, %sub3A_186, %lt3A_189 : i32
    %and3A_191 = arith.andi %ge3A_188, %lt3A_190 : i1
    %convert_element_type3A_192 = arith.extui %and3A_191 : i1 to i32
    %cond3A_193 = arith.constant 0 : i32
    %cond3A_194 = arith.cmpi ne, %convert_element_type3A_192, %cond3A_193 : i32
    scf.if %cond3A_194 {
      %get3A_349 = arith.constant 0 : index
      %get3A_350 = arith.constant 17 : index
      %get3A_351 = vector.load %arg2[%get3A_349, %get3A_350] : memref<64x32xf32, #tpu.memory_space<vmem>>, vector<64x1xf32>
      %eq3A = vector.broadcast %sub3A_186 : i32 to vector<64x32768xi32>
      %eq3A_352 = arith.cmpi eq, %iota3A, %eq3A : vector<64x32768xi32>
      %get3A_353 = arith.constant 0 : index
      %get3A_354 = arith.constant 0 : index
      %get3A_355 = vector.load %arg3[%get3A_353, %get3A_354] : memref<64x32768xf32, #tpu.memory_space<vmem>>, vector<64x32768xf32>
      %broadcast_in_dim3A_356 = vector.shape_cast %get3A_351 : vector<64x1xf32> to vector<64x1xf32>
      %broadcast_in_dim3A_357 = vector.broadcast %broadcast_in_dim3A_356 : vector<64x1xf32> to vector<64x32768xf32>
      %select_n3A = arith.select %eq3A_352, %broadcast_in_dim3A_357, %get3A_355 : vector<64x32768xi1>, vector<64x32768xf32>
      %swap3A_358 = arith.constant 0 : index
      %swap3A_359 = arith.constant 0 : index
      %swap3A_360 = vector.load %arg3[%swap3A_358, %swap3A_359] : memref<64x32768xf32, #tpu.memory_space<vmem>>, vector<64x32768xf32>
      tpu.vector_store %arg3[%swap3A_358, %swap3A_359], %select_n3A {strides = array<i32>} : memref<64x32768xf32, #tpu.memory_space<vmem>>, vector<64x32768xf32>,
    } else {
    }
    %get3A_195 = arith.constant 18 : index
    %get3A_196 = memref.load %arg1[%get3A_195] : memref<32xi32, #tpu.memory_space<smem>>
    %sub3A_197 = arith.subi %get3A_196, %mul3A_0 : i32
    %ge3A_198 = arith.constant 0 : i32
    %ge3A_199 = arith.cmpi sge, %sub3A_197, %ge3A_198 : i32
    %lt3A_200 = arith.constant 32768 : i32
    %lt3A_201 = arith.cmpi slt, %sub3A_197, %lt3A_200 : i32
    %and3A_202 = arith.andi %ge3A_199, %lt3A_201 : i1
    %convert_element_type3A_203 = arith.extui %and3A_202 : i1 to i32
    %cond3A_204 = arith.constant 0 : i32
    %cond3A_205 = arith.cmpi ne, %convert_element_type3A_203, %cond3A_204 : i32
    scf.if %cond3A_205 {
      %get3A_349 = arith.constant 0 : index
      %get3A_350 = arith.constant 18 : index
      %get3A_351 = vector.load %arg2[%get3A_349, %get3A_350] : memref<64x32xf32, #tpu.memory_space<vmem>>, vector<64x1xf32>
      %eq3A = vector.broadcast %sub3A_197 : i32 to vector<64x32768xi32>
      %eq3A_352 = arith.cmpi eq, %iota3A, %eq3A : vector<64x32768xi32>
      %get3A_353 = arith.constant 0 : index
      %get3A_354 = arith.constant 0 : index
      %get3A_355 = vector.load %arg3[%get3A_353, %get3A_354] : memref<64x32768xf32, #tpu.memory_space<vmem>>, vector<64x32768xf32>
      %broadcast_in_dim3A_356 = vector.shape_cast %get3A_351 : vector<64x1xf32> to vector<64x1xf32>
      %broadcast_in_dim3A_357 = vector.broadcast %broadcast_in_dim3A_356 : vector<64x1xf32> to vector<64x32768xf32>
      %select_n3A = arith.select %eq3A_352, %broadcast_in_dim3A_357, %get3A_355 : vector<64x32768xi1>, vector<64x32768xf32>
      %swap3A_358 = arith.constant 0 : index
      %swap3A_359 = arith.constant 0 : index
      %swap3A_360 = vector.load %arg3[%swap3A_358, %swap3A_359] : memref<64x32768xf32, #tpu.memory_space<vmem>>, vector<64x32768xf32>
      tpu.vector_store %arg3[%swap3A_358, %swap3A_359], %select_n3A {strides = array<i32>} : memref<64x32768xf32, #tpu.memory_space<vmem>>, vector<64x32768xf32>,
    } else {
    }
    %get3A_206 = arith.constant 19 : index
    %get3A_207 = memref.load %arg1[%get3A_206] : memref<32xi32, #tpu.memory_space<smem>>
    %sub3A_208 = arith.subi %get3A_207, %mul3A_0 : i32
    %ge3A_209 = arith.constant 0 : i32
    %ge3A_210 = arith.cmpi sge, %sub3A_208, %ge3A_209 : i32
    %lt3A_211 = arith.constant 32768 : i32
    %lt3A_212 = arith.cmpi slt, %sub3A_208, %lt3A_211 : i32
    %and3A_213 = arith.andi %ge3A_210, %lt3A_212 : i1
    %convert_element_type3A_214 = arith.extui %and3A_213 : i1 to i32
    %cond3A_215 = arith.constant 0 : i32
    %cond3A_216 = arith.cmpi ne, %convert_element_type3A_214, %cond3A_215 : i32
    scf.if %cond3A_216 {
      %get3A_349 = arith.constant 0 : index
      %get3A_350 = arith.constant 19 : index
      %get3A_351 = vector.load %arg2[%get3A_349, %get3A_350] : memref<64x32xf32, #tpu.memory_space<vmem>>, vector<64x1xf32>
      %eq3A = vector.broadcast %sub3A_208 : i32 to vector<64x32768xi32>
      %eq3A_352 = arith.cmpi eq, %iota3A, %eq3A : vector<64x32768xi32>
      %get3A_353 = arith.constant 0 : index
      %get3A_354 = arith.constant 0 : index
      %get3A_355 = vector.load %arg3[%get3A_353, %get3A_354] : memref<64x32768xf32, #tpu.memory_space<vmem>>, vector<64x32768xf32>
      %broadcast_in_dim3A_356 = vector.shape_cast %get3A_351 : vector<64x1xf32> to vector<64x1xf32>
      %broadcast_in_dim3A_357 = vector.broadcast %broadcast_in_dim3A_356 : vector<64x1xf32> to vector<64x32768xf32>
      %select_n3A = arith.select %eq3A_352, %broadcast_in_dim3A_357, %get3A_355 : vector<64x32768xi1>, vector<64x32768xf32>
      %swap3A_358 = arith.constant 0 : index
      %swap3A_359 = arith.constant 0 : index
      %swap3A_360 = vector.load %arg3[%swap3A_358, %swap3A_359] : memref<64x32768xf32, #tpu.memory_space<vmem>>, vector<64x32768xf32>
      tpu.vector_store %arg3[%swap3A_358, %swap3A_359], %select_n3A {strides = array<i32>} : memref<64x32768xf32, #tpu.memory_space<vmem>>, vector<64x32768xf32>,
    } else {
    }
    %get3A_217 = arith.constant 20 : index
    %get3A_218 = memref.load %arg1[%get3A_217] : memref<32xi32, #tpu.memory_space<smem>>
    %sub3A_219 = arith.subi %get3A_218, %mul3A_0 : i32
    %ge3A_220 = arith.constant 0 : i32
    %ge3A_221 = arith.cmpi sge, %sub3A_219, %ge3A_220 : i32
    %lt3A_222 = arith.constant 32768 : i32
    %lt3A_223 = arith.cmpi slt, %sub3A_219, %lt3A_222 : i32
    %and3A_224 = arith.andi %ge3A_221, %lt3A_223 : i1
    %convert_element_type3A_225 = arith.extui %and3A_224 : i1 to i32
    %cond3A_226 = arith.constant 0 : i32
    %cond3A_227 = arith.cmpi ne, %convert_element_type3A_225, %cond3A_226 : i32
    scf.if %cond3A_227 {
      %get3A_349 = arith.constant 0 : index
      %get3A_350 = arith.constant 20 : index
      %get3A_351 = vector.load %arg2[%get3A_349, %get3A_350] : memref<64x32xf32, #tpu.memory_space<vmem>>, vector<64x1xf32>
      %eq3A = vector.broadcast %sub3A_219 : i32 to vector<64x32768xi32>
      %eq3A_352 = arith.cmpi eq, %iota3A, %eq3A : vector<64x32768xi32>
      %get3A_353 = arith.constant 0 : index
      %get3A_354 = arith.constant 0 : index
      %get3A_355 = vector.load %arg3[%get3A_353, %get3A_354] : memref<64x32768xf32, #tpu.memory_space<vmem>>, vector<64x32768xf32>
      %broadcast_in_dim3A_356 = vector.shape_cast %get3A_351 : vector<64x1xf32> to vector<64x1xf32>
      %broadcast_in_dim3A_357 = vector.broadcast %broadcast_in_dim3A_356 : vector<64x1xf32> to vector<64x32768xf32>
      %select_n3A = arith.select %eq3A_352, %broadcast_in_dim3A_357, %get3A_355 : vector<64x32768xi1>, vector<64x32768xf32>
      %swap3A_358 = arith.constant 0 : index
      %swap3A_359 = arith.constant 0 : index
      %swap3A_360 = vector.load %arg3[%swap3A_358, %swap3A_359] : memref<64x32768xf32, #tpu.memory_space<vmem>>, vector<64x32768xf32>
      tpu.vector_store %arg3[%swap3A_358, %swap3A_359], %select_n3A {strides = array<i32>} : memref<64x32768xf32, #tpu.memory_space<vmem>>, vector<64x32768xf32>,
    } else {
    }
    %get3A_228 = arith.constant 21 : index
    %get3A_229 = memref.load %arg1[%get3A_228] : memref<32xi32, #tpu.memory_space<smem>>
    %sub3A_230 = arith.subi %get3A_229, %mul3A_0 : i32
    %ge3A_231 = arith.constant 0 : i32
    %ge3A_232 = arith.cmpi sge, %sub3A_230, %ge3A_231 : i32
    %lt3A_233 = arith.constant 32768 : i32
    %lt3A_234 = arith.cmpi slt, %sub3A_230, %lt3A_233 : i32
    %and3A_235 = arith.andi %ge3A_232, %lt3A_234 : i1
    %convert_element_type3A_236 = arith.extui %and3A_235 : i1 to i32
    %cond3A_237 = arith.constant 0 : i32
    %cond3A_238 = arith.cmpi ne, %convert_element_type3A_236, %cond3A_237 : i32
    scf.if %cond3A_238 {
      %get3A_349 = arith.constant 0 : index
      %get3A_350 = arith.constant 21 : index
      %get3A_351 = vector.load %arg2[%get3A_349, %get3A_350] : memref<64x32xf32, #tpu.memory_space<vmem>>, vector<64x1xf32>
      %eq3A = vector.broadcast %sub3A_230 : i32 to vector<64x32768xi32>
      %eq3A_352 = arith.cmpi eq, %iota3A, %eq3A : vector<64x32768xi32>
      %get3A_353 = arith.constant 0 : index
      %get3A_354 = arith.constant 0 : index
      %get3A_355 = vector.load %arg3[%get3A_353, %get3A_354] : memref<64x32768xf32, #tpu.memory_space<vmem>>, vector<64x32768xf32>
      %broadcast_in_dim3A_356 = vector.shape_cast %get3A_351 : vector<64x1xf32> to vector<64x1xf32>
      %broadcast_in_dim3A_357 = vector.broadcast %broadcast_in_dim3A_356 : vector<64x1xf32> to vector<64x32768xf32>
      %select_n3A = arith.select %eq3A_352, %broadcast_in_dim3A_357, %get3A_355 : vector<64x32768xi1>, vector<64x32768xf32>
      %swap3A_358 = arith.constant 0 : index
      %swap3A_359 = arith.constant 0 : index
      %swap3A_360 = vector.load %arg3[%swap3A_358, %swap3A_359] : memref<64x32768xf32, #tpu.memory_space<vmem>>, vector<64x32768xf32>
      tpu.vector_store %arg3[%swap3A_358, %swap3A_359], %select_n3A {strides = array<i32>} : memref<64x32768xf32, #tpu.memory_space<vmem>>, vector<64x32768xf32>,
    } else {
    }
    %get3A_239 = arith.constant 22 : index
    %get3A_240 = memref.load %arg1[%get3A_239] : memref<32xi32, #tpu.memory_space<smem>>
    %sub3A_241 = arith.subi %get3A_240, %mul3A_0 : i32
    %ge3A_242 = arith.constant 0 : i32
    %ge3A_243 = arith.cmpi sge, %sub3A_241, %ge3A_242 : i32
    %lt3A_244 = arith.constant 32768 : i32
    %lt3A_245 = arith.cmpi slt, %sub3A_241, %lt3A_244 : i32
    %and3A_246 = arith.andi %ge3A_243, %lt3A_245 : i1
    %convert_element_type3A_247 = arith.extui %and3A_246 : i1 to i32
    %cond3A_248 = arith.constant 0 : i32
    %cond3A_249 = arith.cmpi ne, %convert_element_type3A_247, %cond3A_248 : i32
    scf.if %cond3A_249 {
      %get3A_349 = arith.constant 0 : index
      %get3A_350 = arith.constant 22 : index
      %get3A_351 = vector.load %arg2[%get3A_349, %get3A_350] : memref<64x32xf32, #tpu.memory_space<vmem>>, vector<64x1xf32>
      %eq3A = vector.broadcast %sub3A_241 : i32 to vector<64x32768xi32>
      %eq3A_352 = arith.cmpi eq, %iota3A, %eq3A : vector<64x32768xi32>
      %get3A_353 = arith.constant 0 : index
      %get3A_354 = arith.constant 0 : index
      %get3A_355 = vector.load %arg3[%get3A_353, %get3A_354] : memref<64x32768xf32, #tpu.memory_space<vmem>>, vector<64x32768xf32>
      %broadcast_in_dim3A_356 = vector.shape_cast %get3A_351 : vector<64x1xf32> to vector<64x1xf32>
      %broadcast_in_dim3A_357 = vector.broadcast %broadcast_in_dim3A_356 : vector<64x1xf32> to vector<64x32768xf32>
      %select_n3A = arith.select %eq3A_352, %broadcast_in_dim3A_357, %get3A_355 : vector<64x32768xi1>, vector<64x32768xf32>
      %swap3A_358 = arith.constant 0 : index
      %swap3A_359 = arith.constant 0 : index
      %swap3A_360 = vector.load %arg3[%swap3A_358, %swap3A_359] : memref<64x32768xf32, #tpu.memory_space<vmem>>, vector<64x32768xf32>
      tpu.vector_store %arg3[%swap3A_358, %swap3A_359], %select_n3A {strides = array<i32>} : memref<64x32768xf32, #tpu.memory_space<vmem>>, vector<64x32768xf32>,
    } else {
    }
    %get3A_250 = arith.constant 23 : index
    %get3A_251 = memref.load %arg1[%get3A_250] : memref<32xi32, #tpu.memory_space<smem>>
    %sub3A_252 = arith.subi %get3A_251, %mul3A_0 : i32
    %ge3A_253 = arith.constant 0 : i32
    %ge3A_254 = arith.cmpi sge, %sub3A_252, %ge3A_253 : i32
    %lt3A_255 = arith.constant 32768 : i32
    %lt3A_256 = arith.cmpi slt, %sub3A_252, %lt3A_255 : i32
    %and3A_257 = arith.andi %ge3A_254, %lt3A_256 : i1
    %convert_element_type3A_258 = arith.extui %and3A_257 : i1 to i32
    %cond3A_259 = arith.constant 0 : i32
    %cond3A_260 = arith.cmpi ne, %convert_element_type3A_258, %cond3A_259 : i32
    scf.if %cond3A_260 {
      %get3A_349 = arith.constant 0 : index
      %get3A_350 = arith.constant 23 : index
      %get3A_351 = vector.load %arg2[%get3A_349, %get3A_350] : memref<64x32xf32, #tpu.memory_space<vmem>>, vector<64x1xf32>
      %eq3A = vector.broadcast %sub3A_252 : i32 to vector<64x32768xi32>
      %eq3A_352 = arith.cmpi eq, %iota3A, %eq3A : vector<64x32768xi32>
      %get3A_353 = arith.constant 0 : index
      %get3A_354 = arith.constant 0 : index
      %get3A_355 = vector.load %arg3[%get3A_353, %get3A_354] : memref<64x32768xf32, #tpu.memory_space<vmem>>, vector<64x32768xf32>
      %broadcast_in_dim3A_356 = vector.shape_cast %get3A_351 : vector<64x1xf32> to vector<64x1xf32>
      %broadcast_in_dim3A_357 = vector.broadcast %broadcast_in_dim3A_356 : vector<64x1xf32> to vector<64x32768xf32>
      %select_n3A = arith.select %eq3A_352, %broadcast_in_dim3A_357, %get3A_355 : vector<64x32768xi1>, vector<64x32768xf32>
      %swap3A_358 = arith.constant 0 : index
      %swap3A_359 = arith.constant 0 : index
      %swap3A_360 = vector.load %arg3[%swap3A_358, %swap3A_359] : memref<64x32768xf32, #tpu.memory_space<vmem>>, vector<64x32768xf32>
      tpu.vector_store %arg3[%swap3A_358, %swap3A_359], %select_n3A {strides = array<i32>} : memref<64x32768xf32, #tpu.memory_space<vmem>>, vector<64x32768xf32>,
    } else {
    }
    %get3A_261 = arith.constant 24 : index
    %get3A_262 = memref.load %arg1[%get3A_261] : memref<32xi32, #tpu.memory_space<smem>>
    %sub3A_263 = arith.subi %get3A_262, %mul3A_0 : i32
    %ge3A_264 = arith.constant 0 : i32
    %ge3A_265 = arith.cmpi sge, %sub3A_263, %ge3A_264 : i32
    %lt3A_266 = arith.constant 32768 : i32
    %lt3A_267 = arith.cmpi slt, %sub3A_263, %lt3A_266 : i32
    %and3A_268 = arith.andi %ge3A_265, %lt3A_267 : i1
    %convert_element_type3A_269 = arith.extui %and3A_268 : i1 to i32
    %cond3A_270 = arith.constant 0 : i32
    %cond3A_271 = arith.cmpi ne, %convert_element_type3A_269, %cond3A_270 : i32
    scf.if %cond3A_271 {
      %get3A_349 = arith.constant 0 : index
      %get3A_350 = arith.constant 24 : index
      %get3A_351 = vector.load %arg2[%get3A_349, %get3A_350] : memref<64x32xf32, #tpu.memory_space<vmem>>, vector<64x1xf32>
      %eq3A = vector.broadcast %sub3A_263 : i32 to vector<64x32768xi32>
      %eq3A_352 = arith.cmpi eq, %iota3A, %eq3A : vector<64x32768xi32>
      %get3A_353 = arith.constant 0 : index
      %get3A_354 = arith.constant 0 : index
      %get3A_355 = vector.load %arg3[%get3A_353, %get3A_354] : memref<64x32768xf32, #tpu.memory_space<vmem>>, vector<64x32768xf32>
      %broadcast_in_dim3A_356 = vector.shape_cast %get3A_351 : vector<64x1xf32> to vector<64x1xf32>
      %broadcast_in_dim3A_357 = vector.broadcast %broadcast_in_dim3A_356 : vector<64x1xf32> to vector<64x32768xf32>
      %select_n3A = arith.select %eq3A_352, %broadcast_in_dim3A_357, %get3A_355 : vector<64x32768xi1>, vector<64x32768xf32>
      %swap3A_358 = arith.constant 0 : index
      %swap3A_359 = arith.constant 0 : index
      %swap3A_360 = vector.load %arg3[%swap3A_358, %swap3A_359] : memref<64x32768xf32, #tpu.memory_space<vmem>>, vector<64x32768xf32>
      tpu.vector_store %arg3[%swap3A_358, %swap3A_359], %select_n3A {strides = array<i32>} : memref<64x32768xf32, #tpu.memory_space<vmem>>, vector<64x32768xf32>,
    } else {
    }
    %get3A_272 = arith.constant 25 : index
    %get3A_273 = memref.load %arg1[%get3A_272] : memref<32xi32, #tpu.memory_space<smem>>
    %sub3A_274 = arith.subi %get3A_273, %mul3A_0 : i32
    %ge3A_275 = arith.constant 0 : i32
    %ge3A_276 = arith.cmpi sge, %sub3A_274, %ge3A_275 : i32
    %lt3A_277 = arith.constant 32768 : i32
    %lt3A_278 = arith.cmpi slt, %sub3A_274, %lt3A_277 : i32
    %and3A_279 = arith.andi %ge3A_276, %lt3A_278 : i1
    %convert_element_type3A_280 = arith.extui %and3A_279 : i1 to i32
    %cond3A_281 = arith.constant 0 : i32
    %cond3A_282 = arith.cmpi ne, %convert_element_type3A_280, %cond3A_281 : i32
    scf.if %cond3A_282 {
      %get3A_349 = arith.constant 0 : index
      %get3A_350 = arith.constant 25 : index
      %get3A_351 = vector.load %arg2[%get3A_349, %get3A_350] : memref<64x32xf32, #tpu.memory_space<vmem>>, vector<64x1xf32>
      %eq3A = vector.broadcast %sub3A_274 : i32 to vector<64x32768xi32>
      %eq3A_352 = arith.cmpi eq, %iota3A, %eq3A : vector<64x32768xi32>
      %get3A_353 = arith.constant 0 : index
      %get3A_354 = arith.constant 0 : index
      %get3A_355 = vector.load %arg3[%get3A_353, %get3A_354] : memref<64x32768xf32, #tpu.memory_space<vmem>>, vector<64x32768xf32>
      %broadcast_in_dim3A_356 = vector.shape_cast %get3A_351 : vector<64x1xf32> to vector<64x1xf32>
      %broadcast_in_dim3A_357 = vector.broadcast %broadcast_in_dim3A_356 : vector<64x1xf32> to vector<64x32768xf32>
      %select_n3A = arith.select %eq3A_352, %broadcast_in_dim3A_357, %get3A_355 : vector<64x32768xi1>, vector<64x32768xf32>
      %swap3A_358 = arith.constant 0 : index
      %swap3A_359 = arith.constant 0 : index
      %swap3A_360 = vector.load %arg3[%swap3A_358, %swap3A_359] : memref<64x32768xf32, #tpu.memory_space<vmem>>, vector<64x32768xf32>
      tpu.vector_store %arg3[%swap3A_358, %swap3A_359], %select_n3A {strides = array<i32>} : memref<64x32768xf32, #tpu.memory_space<vmem>>, vector<64x32768xf32>,
    } else {
    }
    %get3A_283 = arith.constant 26 : index
    %get3A_284 = memref.load %arg1[%get3A_283] : memref<32xi32, #tpu.memory_space<smem>>
    %sub3A_285 = arith.subi %get3A_284, %mul3A_0 : i32
    %ge3A_286 = arith.constant 0 : i32
    %ge3A_287 = arith.cmpi sge, %sub3A_285, %ge3A_286 : i32
    %lt3A_288 = arith.constant 32768 : i32
    %lt3A_289 = arith.cmpi slt, %sub3A_285, %lt3A_288 : i32
    %and3A_290 = arith.andi %ge3A_287, %lt3A_289 : i1
    %convert_element_type3A_291 = arith.extui %and3A_290 : i1 to i32
    %cond3A_292 = arith.constant 0 : i32
    %cond3A_293 = arith.cmpi ne, %convert_element_type3A_291, %cond3A_292 : i32
    scf.if %cond3A_293 {
      %get3A_349 = arith.constant 0 : index
      %get3A_350 = arith.constant 26 : index
      %get3A_351 = vector.load %arg2[%get3A_349, %get3A_350] : memref<64x32xf32, #tpu.memory_space<vmem>>, vector<64x1xf32>
      %eq3A = vector.broadcast %sub3A_285 : i32 to vector<64x32768xi32>
      %eq3A_352 = arith.cmpi eq, %iota3A, %eq3A : vector<64x32768xi32>
      %get3A_353 = arith.constant 0 : index
      %get3A_354 = arith.constant 0 : index
      %get3A_355 = vector.load %arg3[%get3A_353, %get3A_354] : memref<64x32768xf32, #tpu.memory_space<vmem>>, vector<64x32768xf32>
      %broadcast_in_dim3A_356 = vector.shape_cast %get3A_351 : vector<64x1xf32> to vector<64x1xf32>
      %broadcast_in_dim3A_357 = vector.broadcast %broadcast_in_dim3A_356 : vector<64x1xf32> to vector<64x32768xf32>
      %select_n3A = arith.select %eq3A_352, %broadcast_in_dim3A_357, %get3A_355 : vector<64x32768xi1>, vector<64x32768xf32>
      %swap3A_358 = arith.constant 0 : index
      %swap3A_359 = arith.constant 0 : index
      %swap3A_360 = vector.load %arg3[%swap3A_358, %swap3A_359] : memref<64x32768xf32, #tpu.memory_space<vmem>>, vector<64x32768xf32>
      tpu.vector_store %arg3[%swap3A_358, %swap3A_359], %select_n3A {strides = array<i32>} : memref<64x32768xf32, #tpu.memory_space<vmem>>, vector<64x32768xf32>,
    } else {
    }
    %get3A_294 = arith.constant 27 : index
    %get3A_295 = memref.load %arg1[%get3A_294] : memref<32xi32, #tpu.memory_space<smem>>
    %sub3A_296 = arith.subi %get3A_295, %mul3A_0 : i32
    %ge3A_297 = arith.constant 0 : i32
    %ge3A_298 = arith.cmpi sge, %sub3A_296, %ge3A_297 : i32
    %lt3A_299 = arith.constant 32768 : i32
    %lt3A_300 = arith.cmpi slt, %sub3A_296, %lt3A_299 : i32
    %and3A_301 = arith.andi %ge3A_298, %lt3A_300 : i1
    %convert_element_type3A_302 = arith.extui %and3A_301 : i1 to i32
    %cond3A_303 = arith.constant 0 : i32
    %cond3A_304 = arith.cmpi ne, %convert_element_type3A_302, %cond3A_303 : i32
    scf.if %cond3A_304 {
      %get3A_349 = arith.constant 0 : index
      %get3A_350 = arith.constant 27 : index
      %get3A_351 = vector.load %arg2[%get3A_349, %get3A_350] : memref<64x32xf32, #tpu.memory_space<vmem>>, vector<64x1xf32>
      %eq3A = vector.broadcast %sub3A_296 : i32 to vector<64x32768xi32>
      %eq3A_352 = arith.cmpi eq, %iota3A, %eq3A : vector<64x32768xi32>
      %get3A_353 = arith.constant 0 : index
      %get3A_354 = arith.constant 0 : index
      %get3A_355 = vector.load %arg3[%get3A_353, %get3A_354] : memref<64x32768xf32, #tpu.memory_space<vmem>>, vector<64x32768xf32>
      %broadcast_in_dim3A_356 = vector.shape_cast %get3A_351 : vector<64x1xf32> to vector<64x1xf32>
      %broadcast_in_dim3A_357 = vector.broadcast %broadcast_in_dim3A_356 : vector<64x1xf32> to vector<64x32768xf32>
      %select_n3A = arith.select %eq3A_352, %broadcast_in_dim3A_357, %get3A_355 : vector<64x32768xi1>, vector<64x32768xf32>
      %swap3A_358 = arith.constant 0 : index
      %swap3A_359 = arith.constant 0 : index
      %swap3A_360 = vector.load %arg3[%swap3A_358, %swap3A_359] : memref<64x32768xf32, #tpu.memory_space<vmem>>, vector<64x32768xf32>
      tpu.vector_store %arg3[%swap3A_358, %swap3A_359], %select_n3A {strides = array<i32>} : memref<64x32768xf32, #tpu.memory_space<vmem>>, vector<64x32768xf32>,
    } else {
    }
    %get3A_305 = arith.constant 28 : index
    %get3A_306 = memref.load %arg1[%get3A_305] : memref<32xi32, #tpu.memory_space<smem>>
    %sub3A_307 = arith.subi %get3A_306, %mul3A_0 : i32
    %ge3A_308 = arith.constant 0 : i32
    %ge3A_309 = arith.cmpi sge, %sub3A_307, %ge3A_308 : i32
    %lt3A_310 = arith.constant 32768 : i32
    %lt3A_311 = arith.cmpi slt, %sub3A_307, %lt3A_310 : i32
    %and3A_312 = arith.andi %ge3A_309, %lt3A_311 : i1
    %convert_element_type3A_313 = arith.extui %and3A_312 : i1 to i32
    %cond3A_314 = arith.constant 0 : i32
    %cond3A_315 = arith.cmpi ne, %convert_element_type3A_313, %cond3A_314 : i32
    scf.if %cond3A_315 {
      %get3A_349 = arith.constant 0 : index
      %get3A_350 = arith.constant 28 : index
      %get3A_351 = vector.load %arg2[%get3A_349, %get3A_350] : memref<64x32xf32, #tpu.memory_space<vmem>>, vector<64x1xf32>
      %eq3A = vector.broadcast %sub3A_307 : i32 to vector<64x32768xi32>
      %eq3A_352 = arith.cmpi eq, %iota3A, %eq3A : vector<64x32768xi32>
      %get3A_353 = arith.constant 0 : index
      %get3A_354 = arith.constant 0 : index
      %get3A_355 = vector.load %arg3[%get3A_353, %get3A_354] : memref<64x32768xf32, #tpu.memory_space<vmem>>, vector<64x32768xf32>
      %broadcast_in_dim3A_356 = vector.shape_cast %get3A_351 : vector<64x1xf32> to vector<64x1xf32>
      %broadcast_in_dim3A_357 = vector.broadcast %broadcast_in_dim3A_356 : vector<64x1xf32> to vector<64x32768xf32>
      %select_n3A = arith.select %eq3A_352, %broadcast_in_dim3A_357, %get3A_355 : vector<64x32768xi1>, vector<64x32768xf32>
      %swap3A_358 = arith.constant 0 : index
      %swap3A_359 = arith.constant 0 : index
      %swap3A_360 = vector.load %arg3[%swap3A_358, %swap3A_359] : memref<64x32768xf32, #tpu.memory_space<vmem>>, vector<64x32768xf32>
      tpu.vector_store %arg3[%swap3A_358, %swap3A_359], %select_n3A {strides = array<i32>} : memref<64x32768xf32, #tpu.memory_space<vmem>>, vector<64x32768xf32>,
    } else {
    }
    %get3A_316 = arith.constant 29 : index
    %get3A_317 = memref.load %arg1[%get3A_316] : memref<32xi32, #tpu.memory_space<smem>>
    %sub3A_318 = arith.subi %get3A_317, %mul3A_0 : i32
    %ge3A_319 = arith.constant 0 : i32
    %ge3A_320 = arith.cmpi sge, %sub3A_318, %ge3A_319 : i32
    %lt3A_321 = arith.constant 32768 : i32
    %lt3A_322 = arith.cmpi slt, %sub3A_318, %lt3A_321 : i32
    %and3A_323 = arith.andi %ge3A_320, %lt3A_322 : i1
    %convert_element_type3A_324 = arith.extui %and3A_323 : i1 to i32
    %cond3A_325 = arith.constant 0 : i32
    %cond3A_326 = arith.cmpi ne, %convert_element_type3A_324, %cond3A_325 : i32
    scf.if %cond3A_326 {
      %get3A_349 = arith.constant 0 : index
      %get3A_350 = arith.constant 29 : index
      %get3A_351 = vector.load %arg2[%get3A_349, %get3A_350] : memref<64x32xf32, #tpu.memory_space<vmem>>, vector<64x1xf32>
      %eq3A = vector.broadcast %sub3A_318 : i32 to vector<64x32768xi32>
      %eq3A_352 = arith.cmpi eq, %iota3A, %eq3A : vector<64x32768xi32>
      %get3A_353 = arith.constant 0 : index
      %get3A_354 = arith.constant 0 : index
      %get3A_355 = vector.load %arg3[%get3A_353, %get3A_354] : memref<64x32768xf32, #tpu.memory_space<vmem>>, vector<64x32768xf32>
      %broadcast_in_dim3A_356 = vector.shape_cast %get3A_351 : vector<64x1xf32> to vector<64x1xf32>
      %broadcast_in_dim3A_357 = vector.broadcast %broadcast_in_dim3A_356 : vector<64x1xf32> to vector<64x32768xf32>
      %select_n3A = arith.select %eq3A_352, %broadcast_in_dim3A_357, %get3A_355 : vector<64x32768xi1>, vector<64x32768xf32>
      %swap3A_358 = arith.constant 0 : index
      %swap3A_359 = arith.constant 0 : index
      %swap3A_360 = vector.load %arg3[%swap3A_358, %swap3A_359] : memref<64x32768xf32, #tpu.memory_space<vmem>>, vector<64x32768xf32>
      tpu.vector_store %arg3[%swap3A_358, %swap3A_359], %select_n3A {strides = array<i32>} : memref<64x32768xf32, #tpu.memory_space<vmem>>, vector<64x32768xf32>,
    } else {
    }
    %get3A_327 = arith.constant 30 : index
    %get3A_328 = memref.load %arg1[%get3A_327] : memref<32xi32, #tpu.memory_space<smem>>
    %sub3A_329 = arith.subi %get3A_328, %mul3A_0 : i32
    %ge3A_330 = arith.constant 0 : i32
    %ge3A_331 = arith.cmpi sge, %sub3A_329, %ge3A_330 : i32
    %lt3A_332 = arith.constant 32768 : i32
    %lt3A_333 = arith.cmpi slt, %sub3A_329, %lt3A_332 : i32
    %and3A_334 = arith.andi %ge3A_331, %lt3A_333 : i1
    %convert_element_type3A_335 = arith.extui %and3A_334 : i1 to i32
    %cond3A_336 = arith.constant 0 : i32
    %cond3A_337 = arith.cmpi ne, %convert_element_type3A_335, %cond3A_336 : i32
    scf.if %cond3A_337 {
      %get3A_349 = arith.constant 0 : index
      %get3A_350 = arith.constant 30 : index
      %get3A_351 = vector.load %arg2[%get3A_349, %get3A_350] : memref<64x32xf32, #tpu.memory_space<vmem>>, vector<64x1xf32>
      %eq3A = vector.broadcast %sub3A_329 : i32 to vector<64x32768xi32>
      %eq3A_352 = arith.cmpi eq, %iota3A, %eq3A : vector<64x32768xi32>
      %get3A_353 = arith.constant 0 : index
      %get3A_354 = arith.constant 0 : index
      %get3A_355 = vector.load %arg3[%get3A_353, %get3A_354] : memref<64x32768xf32, #tpu.memory_space<vmem>>, vector<64x32768xf32>
      %broadcast_in_dim3A_356 = vector.shape_cast %get3A_351 : vector<64x1xf32> to vector<64x1xf32>
      %broadcast_in_dim3A_357 = vector.broadcast %broadcast_in_dim3A_356 : vector<64x1xf32> to vector<64x32768xf32>
      %select_n3A = arith.select %eq3A_352, %broadcast_in_dim3A_357, %get3A_355 : vector<64x32768xi1>, vector<64x32768xf32>
      %swap3A_358 = arith.constant 0 : index
      %swap3A_359 = arith.constant 0 : index
      %swap3A_360 = vector.load %arg3[%swap3A_358, %swap3A_359] : memref<64x32768xf32, #tpu.memory_space<vmem>>, vector<64x32768xf32>
      tpu.vector_store %arg3[%swap3A_358, %swap3A_359], %select_n3A {strides = array<i32>} : memref<64x32768xf32, #tpu.memory_space<vmem>>, vector<64x32768xf32>,
    } else {
    }
    %get3A_338 = arith.constant 31 : index
    %get3A_339 = memref.load %arg1[%get3A_338] : memref<32xi32, #tpu.memory_space<smem>>
    %sub3A_340 = arith.subi %get3A_339, %mul3A_0 : i32
    %ge3A_341 = arith.constant 0 : i32
    %ge3A_342 = arith.cmpi sge, %sub3A_340, %ge3A_341 : i32
    %lt3A_343 = arith.constant 32768 : i32
    %lt3A_344 = arith.cmpi slt, %sub3A_340, %lt3A_343 : i32
    %and3A_345 = arith.andi %ge3A_342, %lt3A_344 : i1
    %convert_element_type3A_346 = arith.extui %and3A_345 : i1 to i32
    %cond3A_347 = arith.constant 0 : i32
    %cond3A_348 = arith.cmpi ne, %convert_element_type3A_346, %cond3A_347 : i32
    scf.if %cond3A_348 {
      %get3A_349 = arith.constant 0 : index
      %get3A_350 = arith.constant 31 : index
      %get3A_351 = vector.load %arg2[%get3A_349, %get3A_350] : memref<64x32xf32, #tpu.memory_space<vmem>>, vector<64x1xf32>
      %eq3A = vector.broadcast %sub3A_340 : i32 to vector<64x32768xi32>
      %eq3A_352 = arith.cmpi eq, %iota3A, %eq3A : vector<64x32768xi32>
      %get3A_353 = arith.constant 0 : index
      %get3A_354 = arith.constant 0 : index
      %get3A_355 = vector.load %arg3[%get3A_353, %get3A_354] : memref<64x32768xf32, #tpu.memory_space<vmem>>, vector<64x32768xf32>
      %broadcast_in_dim3A_356 = vector.shape_cast %get3A_351 : vector<64x1xf32> to vector<64x1xf32>
      %broadcast_in_dim3A_357 = vector.broadcast %broadcast_in_dim3A_356 : vector<64x1xf32> to vector<64x32768xf32>
      %select_n3A = arith.select %eq3A_352, %broadcast_in_dim3A_357, %get3A_355 : vector<64x32768xi1>, vector<64x32768xf32>
      %swap3A_358 = arith.constant 0 : index
      %swap3A_359 = arith.constant 0 : index
      %swap3A_360 = vector.load %arg3[%swap3A_358, %swap3A_359] : memref<64x32768xf32, #tpu.memory_space<vmem>>, vector<64x32768xf32>
      tpu.vector_store %arg3[%swap3A_358, %swap3A_359], %select_n3A {strides = array<i32>} : memref<64x32768xf32, #tpu.memory_space<vmem>>, vector<64x32768xf32>,
    } else {
    }
    return
  }
  func.func @transform_0(%arg0: i32, %arg1: memref<32xi32, #tpu.memory_space<smem>>) -> (i32, i32) {
    %c0_i32 = arith.constant 0 : i32
    %c0_i32_0 = arith.constant 0 : i32
    %c0_i32_1 = arith.constant 0 : i32
    return %c0_i32, %c0_i32_0 : i32, i32
  }
  func.func @transform_1(%arg0: i32, %arg1: memref<32xi32, #tpu.memory_space<smem>>) -> (i32, i32) {
    %c0_i32 = arith.constant 0 : i32
    %c0_i32_0 = arith.constant 0 : i32
    return %c0_i32, %arg0 : i32, i32
  }
}

</mosaic_0001>

<sc_bundles>
// kernel: kernel.4.cloned.1.call-start
scs
__scs_entry_jumppad:
0x0: {  	(pc) =	sbr.rel $0x88, $3  }
0x1: {  	(tag) =	ssettag $0x0;
	lr =	simm.s32 $0x1  }
0x2: {  	[smem:$0x3F9F] =	sst lr;
	_ =	strace $0xD0000000  }
0x3: {  	_ = 	snop  }
0x4: {  	_ = 	snop  }
0x5: {  	_ = 	snop  }
0x6: {  	_ = 	snop  }
0x7: {  	_ = 	snop  }
__scs_overlays_trampoline_lowered:
0x8: {  	[smem:$0x3FAE] =	sst s0  }
0x9: {  	[smem:$0x3FAF] =	sst s1  }
0xa: {  	[smem:$0x3FB0] =	sst s2  }
0xb: {  	[smem:$0x3FB1] =	sst s3  }
0xc: {  	[smem:$0x3FB2] =	sst s4  }
0xd: {  	[smem:$0x3FB3] =	sst s5  }
0xe: {  	[smem:$0x3FB4] =	sst s6  }
0xf: {  	[smem:$0x3FB5] =	sst s7  }
0x10: {  	[smem:$0x3FB6] =	sst s8  }
0x11: {  	[smem:$0x3FB7] =	sst s9;
	s0 =	simm.s32 @!p0 $0x0  }
0x12: {  	s1 =	sld [smem:$0x3F9D];
	s0 =	simm.s32 @p0 $0x1  }
0x13: {  	[smem:$0x3FB8] =	sst s0;
	s0 =	simm.s32 @!p1 $0x0  }
0x14: {  	s2 =	sld [smem:$0x3F9C];
	s0 =	simm.s32 @p1 $0x1  }
0x15: {  	[smem:$0x3FB9] =	sst s0;
	s0 =	simm.s32 @!p2 $0x0  }
0x16: {  	s3 =	sld [smem:$0x3FDB];
	s0 =	simm.s32 @p2 $0x1  }
0x17: {  	s4 =	simm.s32 $0x1BF5;
	[smem:$0x3FBB] =	sst s0  }
0x18: {  	s0 =	sld [smem:$0x3F9E];
	_ =	swait.ge [sflag:s4], $0x0  }
0x19: {  	s7 =	sld [smem:$0x3F9F]  }
0x1a: {  	s8 =	sadd.s32 $0xFFFFE003, lr  }
0x1b: {  	s9 =	sadd.s32 $0xFFFFFEF7, lr;
	s5 =	simm.s32 $0xFFFFFFFF;
	p2 =	slt.u32 s8, $0xFFFFF086  }
0x1c: {  	p1 =	slt.u32 s9, $0xF7A;
	s5 =	simm.s32 @!p2 $0x0  }
0x1d: {  	s5 =	simm.s32 @p1 $0x1;
	p0 =	seq.s32 s7, s2  }
0x1e: {  	s7 =	smul.u32 @!p0 $0xF7A, s2;
	p2 =	seq.s32 @!p0 s5, $0x0  }
0x1f: {  	s9 =	smul.u32 $0xF7A, s1;
	s8 =	simm.s32 @!p0 $0x1BF5;
	p2 =	por !p2, p0  }
0x20: {  	[sflag:s8] =	ssyncset.s32 @!p0 $0xFFFFF086;
	s6 =	sadd.s32 @!p0 s3, s7;
	s7 =	simm.s32 @!p0 $0x108  }
0x21: {  	s3 =	sadd.s32 s3, s9;
	s6 =	sadd.s32 @!p0 $0x88, s6;
	s7 =	simm.s32 @p2 $0x1082  }
0x22: {  	[simem:s7], [sflag:s8] =	dma.local @!p0 [hbm:s6], $0xF7A  }
0x23: {  	s9 =	sor.u32 $0xD0000000, s2;
	s6 =	simm.s32 $0x108;
	_ =	swait.ge @!p0 [sflag:s8], $0x0  }
0x24: {  	s3 =	sadd.s32 $0x88, s3;
	s6 =	simm.s32 @!p1 $0x1082;
	[sflag:s4] =	ssyncset.s32 $0xFFFFF086  }
0x25: {  	[simem:s6], [sflag:s4] =	dma.local [hbm:s3], $0xF7A  }
0x26: {  	[smem:$0x3F9F] =	sst s1;
	(tag) =	ssettag s2;
	_ =	strace s9  }
0x27: {  	s1 =	sld [smem:$0x3FAF]  }
0x28: {  	s2 =	sld [smem:$0x3FB0]  }
0x29: {  	s4 =	sld [smem:$0x3FB2]  }
0x2a: {  	p0 =	seq.s32 s5, $0x0;
	s5 =	sld [smem:$0x3FB3]  }
0x2b: {  	s6 =	sld [smem:$0x3FB4]  }
0x2c: {  	s7 =	sld [smem:$0x3FB5]  }
0x2d: {  	s3 =	simm.s32 $0x108;
	s8 =	sld [smem:$0x3FB6]  }
0x2e: {  	s3 =	simm.s32 @!p0 $0x1082;
	s9 =	sld [smem:$0x3FB7]  }
0x2f: {  	lr =	sadd.s32 s0, s3;
	s0 =	sld [smem:$0x3FAE]  }
0x30: {  	s3 =	sld [smem:$0x3FB1]  }
0x31: {  	[smem:$0x3FBA] =	sst s10  }
0x32: {  	s10 =	sld [smem:$0x3FB8];
	_ =	sdelay $0x3  }
0x33: {  	p0 =	seq.s32 s10, $0x1;
	s10 =	sld [smem:$0x3FBA];
	_ =	sdelay $0x3  }
0x34: {  	[smem:$0x3FBA] =	sst s10  }
0x35: {  	s10 =	sld [smem:$0x3FB9];
	_ =	sdelay $0x3  }
0x36: {  	p1 =	seq.s32 s10, $0x1;
	s10 =	sld [smem:$0x3FBA];
	_ =	sdelay $0x3  }
0x37: {  	[smem:$0x3FBA] =	sst s10  }
0x38: {  	s10 =	sld [smem:$0x3FBB]  }
0x39: {  	_ = 	snop;
	(pc) =	sbr.ind lr, $3  }
0x3a: {  	_ = 	snop  }
0x3b: {  	_ = 	snop  }
0x3c: {  	p2 =	seq.s32 s10, $0x1;
	s10 =	sld [smem:$0x3FBA]  }
0x3d: {  	_ =	shalt  }
0x3e: {  	_ =	shalt  }
0x3f: {  	_ =	shalt  }
0x40: {  	_ =	shalt  }
0x41: {  	_ =	shalt  }
0x42: {  	_ =	shalt  }
0x43: {  	_ =	shalt  }
0x44: {  	_ =	shalt  }
0x45: {  	_ =	shalt  }
0x46: {  	_ =	shalt  }
0x47: {  	_ =	shalt  }
0x48: {  	_ =	shalt  }
0x49: {  	_ =	shalt  }
0x4a: {  	_ =	shalt  }
0x4b: {  	_ =	shalt  }
0x4c: {  	_ =	shalt  }
0x4d: {  	_ =	shalt  }
0x4e: {  	_ =	shalt  }
0x4f: {  	_ =	shalt  }
0x50: {  	_ =	shalt  }
0x51: {  	_ =	shalt  }
0x52: {  	_ =	shalt  }
0x53: {  	_ =	shalt  }
0x54: {  	_ =	shalt  }
0x55: {  	_ =	shalt  }
0x56: {  	_ =	shalt  }
0x57: {  	_ =	shalt  }
0x58: {  	_ =	shalt  }
0x59: {  	_ =	shalt  }
0x5a: {  	_ =	shalt  }
0x5b: {  	_ =	shalt  }
0x5c: {  	_ =	shalt  }
0x5d: {  	_ =	shalt  }
0x5e: {  	_ =	shalt  }
0x5f: {  	_ =	shalt  }
0x60: {  	_ =	shalt  }
0x61: {  	_ =	shalt  }
0x62: {  	_ =	shalt  }
0x63: {  	_ =	shalt  }
0x64: {  	_ =	shalt  }
0x65: {  	_ =	shalt  }
0x66: {  	_ =	shalt  }
0x67: {  	_ =	shalt  }
0x68: {  	_ =	shalt  }
0x69: {  	_ =	shalt  }
0x6a: {  	_ =	shalt  }
0x6b: {  	_ =	shalt  }
0x6c: {  	_ =	shalt  }
0x6d: {  	_ =	shalt  }
0x6e: {  	_ =	shalt  }
0x6f: {  	_ =	shalt  }
0x70: {  	_ =	shalt  }
0x71: {  	_ =	shalt  }
0x72: {  	_ =	shalt  }
0x73: {  	_ =	shalt  }
0x74: {  	_ =	shalt  }
0x75: {  	_ =	shalt  }
0x76: {  	_ =	shalt  }
0x77: {  	_ =	shalt  }
0x78: {  	_ =	shalt  }
0x79: {  	_ =	shalt  }
0x7a: {  	_ =	shalt  }
0x7b: {  	_ =	shalt  }
0x7c: {  	_ =	shalt  }
0x7d: {  	_ =	shalt  }
0x7e: {  	_ =	shalt  }
0x7f: {  	_ =	shalt  }
0x80: {  	_ =	shalt  }
0x81: {  	_ =	shalt  }
0x82: {  	_ =	shalt  }
0x83: {  	_ =	shalt  }
0x84: {  	_ =	shalt  }
0x85: {  	_ =	shalt  }
0x86: {  	_ =	shalt  }
0x87: {  	_ =	shalt  }
.Lfunc_end0:
.L_simem_size_0:
called_computation_lowered:
.L_overlay_start_0:
0x88: {  	s2 =	sld [smem:$0x3FD9]  }
0x89: {  	s3 =	sld [smem:$0x3FFE];
	_ =	sdelay $0x1  }
0x8a: {  	s1 =	srdreg.scid  }
0x8b: {  	s0 =	sand.u32 $0x1, s1  }
0x8c: {  	s17 =	sshll.u32 s0, $0xA;
	s2 =	sadd.s32 s3, s2  }
0x8d: {  	s2 =	sadd.s32 s2, s17  }
0x8e: {  	[smem:$0x3FC6] =	sst s2  }
0x8f: {  	_ = 	snop  }
0x90: {  	s2 =	sld [smem:$0x3FC8]  }
0x91: {  	s18 =	sld [smem:$0x3FD0];
	(tm) =	ssettm $0x1  }
0x92: {  	s4 =	sld [smem:$0x3FFB];
	_ =	sdelay $0x3  }
0x93: {  	_ =	strace s4  }
0x94: {  	s4 =	sld [smem:$0x3FFC];
	_ =	sdelay $0x3  }
0x95: {  	_ =	strace s4  }
0x96: {  	s4 =	sld [smem:$0x3FFD];
	_ =	sdelay $0x3  }
0x97: {  	_ =	strace s4  }
0x98: {  	_ =	strace $0x8FFFFFFF  }
0x99: {  	s19 =	sld [smem:$0x3FDB];
	_ =	sdelay $0x1  }
0x9a: {  	s5 =	simm.s32 $_scs_section_size  }
0x9b: {  	s6 =	simm.s32 $_size__tile_overlayer_lowered;
	s7 =	simm.s32 $_tile_overlayer_lowered  }
0x9c: {  	s22 =	simm.s32 $0x1BFF;
	s21 =	sshll.u32 s7, $0x1;
	s4 =	sadd.s32 s5, s19  }
0x9d: {  	s8 =	simm.s32 $0x0;
	s20 =	sshll.u32 s6, $0x1;
	s6 =	sadd.s32 s21, s4  }
0x9e: {  	[timem:s8], [sflag:s22] =	dma.local [hbm:s6], s20  }
0x9f: {  	_ =	swait.ge [sflag:s22], s20  }
0xa0: {  	s5 =	ssub.s32 $0x0, s20;
	[sflag:s22] =	ssyncset.done $0x0  }
0xa1: {  	[sflag:s22] =	ssyncadd.s32 s5;
	_ =	sdelay $0x1  }
0xa2: {  	s23 =	simm.s32 $0x1B8B  }
0xa3: {  	_ =	swait.ge [sflag:s23], $0x1  }
0xa4: {  	[sflag:s23] =	ssyncset.done $0x0  }
0xa5: {  	s25 =	simm.s32 $0x1B8E;
	s24 =	sld [smem:$0x3FFE];
	[sflag:s23] =	ssyncadd.s32 $0xFFFFFFFF  }
0xa6: {  	s26 =	simm.s32 $execute0_lowered;
	[smem:$0x3FD2] =	sst s25  }
0xa7: {  	s6 =	sshll.u32 s26, $0x1;
	_ =	strace $0x80000046;
	[dreg:$0x1] =	wrdreg $0xFFFFFFFF  }
0xa8: {  	s28 =	simm.s32 $_size_execute0_lowered;
	s4 =	sadd.s32 s4, s6;
	[dreg:$0x0] =	wrdreg $0x0  }
0xa9: {  	s6 =	sshll.u32 s28, $0x1;
	[dreg:$0x2] =	wrdreg s4  }
0xaa: {  	[dreg:$0x3] =	wrdreg s6  }
0xab: {  	[dreg:$0x4] =	wrdreg $0xC0  }
0xac: {  	_ =	task [dreg:s8], $0x5FFFF  }
0xad: {  	[dreg:$0x1] =	wrdreg $0xFFFFFFFF  }
0xae: {  	[dreg:$0x0] =	wrdreg $0x60  }
0xaf: {  	[dreg:$0x2] =	wrdreg s18  }
0xb0: {  	[dreg:$0x3] =	wrdreg s2  }
0xb1: {  	[dreg:$0x4] =	wrdreg s24  }
0xb2: {  	[dreg:$0x5] =	wrdreg $0x9  }
0xb3: {  	_ =	task.clear_ibuf [dreg:s8], $0x6FFFF;
	_ =	strace $0x90000046  }
0xb4: {  	s29 =	simm.s32 $0x9;
	_ =	strace $0x80000048  }
0xb5: {  	_ =	swait.ge [sflag:s29], $0x1  }
0xb6: {  	[sflag:s29] =	ssyncadd.s32 $0xFFFFFFFF  }
0xb7: {  	_ =	strace $0x90000048  }
0xb8: {  	_ =	sfence  }
0xb9: {  	s30 =	sld [smem:$0x0];
	_ =	sdelay $0x2  }
0xba: {  	s31 =	sshll.u32 s1, $0xD;
	s1 =	sshrl.u32 s1, $0x2  }
0xbb: {  	s3 =	sand.u32 $0x4000, s31;
	s1 =	sadd.s32 s1, s30  }
0xbc: {  	s0 =	sor.u32 s3, s0;
	s1 =	sshll.u32 s1, $0x11  }
0xbd: {  	s0 =	sor.u32 s1, s0  }
0xbe: {  	s0 =	sadd.s32 $0x8F2B, s0  }
0xbf: {  	[sflag:s0] =	ssyncadd.remote.s32 $0x1  }
0xc0: {  	_ =	sfence.sel $0xFFFF  }
0xc1: {  	[dreg:$0x0] =	wrdreg $0xFFFFFFFF;
	(pc) =	sbr.abs _section_cstart, $3  }
0xc2: {  	[dreg:$0x1] =	wrdreg $0xFFFFFFFF  }
0xc3: {  	_ =	task.clear_ibuf [dreg:s8], $0x2FFFF;
	_ =	strace $0x9FFFFFFF  }
0xc4: {  	(tm) =	ssettm $0x7FFFFFFF  }
0xc5: {  	_ =	shalt  }
tec
execute0_lowered:
.L_overlay_start_1:
0x0: {  	(tag) =	ssettag $0x1  }
0x1: {  	s1 =	rddreg [dreg:$0x0]  }
0x2: {  	s2 =	rddreg [dreg:$0x1]  }
0x3: {  	s10 =	rddreg [dreg:$0x2];
	s4 =	simm.s32 $0x0  }
0x4: {  	[smem:$0x7FF] =	sst s4  }
0x5: {  	s0 =	rddreg [dreg:$0x3];
	s5 =	simm.s32 $0x2;
	_ =	strace $0x80000047  }
0x6: {  	[tilespmem:s4], [sflag:$0x2] =	stream.linear.gather [hbm4b:s2+s4], $0x80, $0x38;
	[tilespmem:$0x180] =	vst v63  }
0x7: {  	_ =	swait.ge [sflag:s5], $0x80  }
0x8: {  	s6 =	srdreg.scid;
	s3 =	stileid.u32;
	[sflag:s5] =	ssyncset.done $0x0  }
0x9: {  	s6 =	sand.u32 $0x1, s6;
	s7 =	sshll.u32 s3, $0x1;
	[sflag:s5] =	ssyncadd.s32 $0xFFFFFF80  }
0xa: {  	s11 =	sor.u32 s6, s7;
	v1 =	vld [tilespmem:$0x10]  }
0xb: {  	s7 =	smul.u32 $0x1E8480, s11;
	v2 =	vld [tilespmem:$0x0]  }
0xc: {  	v3 =	vld [tilespmem:$0x0]  }
0xd: {  	s8 =	sadd.s32 $0xF4240, s7;
	v4 =	vld [tilespmem:$0x10]  }
0xe: {  	s6 =	ssub.s32 $0x2, s6;
	v0 =	vmov s8  }
0xf: {  	s31 =	sshrl.u32 s6, $0x1;
	v5 =	vadd.s32 v0, v1  }
0x10: {  	s12 =	ssub.s32 s6, s31;
	v1 =	vmov s7;
	v2 =	vadd.s32 v0, v2;
	[tilespmem:$0xB0] =	vst v5  }
0x11: {  	s12 =	smax.u32 s12, $0x1;
	v3 =	vadd.s32 v1, v3;
	[tilespmem:$0xA0] =	vst v2  }
0x12: {  	s9 =	simm.s32 $0x1;
	s6 =	simm.s32 $0x40;
	p0 =	sne.s32 s12, $0x1;
	v2 =	vadd.s32 v1, v4;
	[tilespmem:$0x80] =	vst v3  }
.Ltmp0:
0x13: {  	s8 =	simm.s32 $0x80;
	s7 =	simm.s32 $0x100;
	[tilespmem:$0x90] =	vst v2;
	(pc) =	sbr.rel @!p0 .LBB2_2-.Ltmp0, $4  }
0x14: {  	[tilespmem:s7], [sflag:$0x1] =	stream.indirect.gather [hbm4b:s1+s6], $0x1, s8, s6, $0xb8;
	[tilespmem:$0x180] =	vst v63  }
0x15: {  	s11 =	sshll.u32 s11, $0x3;
	_ =	swait.ge [sflag:s9], $0x40  }
0x16: {  	s10 =	sadd.s32 s11, s10;
	[sflag:s9] =	ssyncset.done $0x0  }
0x17: {  	s10 =	sadd.s32 $0x400, s10;
	s11 =	sadd.s32 $0xFFFFFFFF, s12;
	[sflag:s9] =	ssyncadd.s32 $0xFFFFFFC0  }
.LBB2_1:
0x18: {  	[hbm4b:s10+s4] =	stream.linear.scatter [tilespmem:s7], [sflag:$0x2], $0x40, $0x38;
	[tilespmem:$0x180] =	vst v63  }
0x19: {  	p0 =	sne.s32 s11, $0x1;
	s11 =	sadd.s32 $0xFFFFFFFF, s11;
	_ =	swait.ge [sflag:s5], $0x40  }
0x1a: {  	[sflag:s5] =	ssyncset.done $0x0  }
0x1b: {  	[sflag:s5] =	ssyncadd.s32 $0xFFFFFFC0  }
0x1c: {  	[tilespmem:s4], [sflag:$0x2] =	stream.linear.gather [hbm4b:s2+s4], $0x80, $0x38;
	[tilespmem:$0x180] =	vst v63  }
0x1d: {  	_ =	swait.ge [sflag:s5], $0x80  }
0x1e: {  	[sflag:s5] =	ssyncset.done $0x0  }
0x1f: {  	[sflag:s5] =	ssyncadd.s32 $0xFFFFFF80  }
0x20: {  	v2 =	vld [tilespmem:$0x10]  }
0x21: {  	v3 =	vld [tilespmem:$0x0]  }
0x22: {  	v4 =	vld [tilespmem:$0x0]  }
0x23: {  	v5 =	vld [tilespmem:$0x10];
	_ =	sdelay $0x1  }
0x24: {  	v2 =	vadd.s32 v0, v2  }
0x25: {  	v3 =	vadd.s32 v0, v3;
	[tilespmem:$0xB0] =	vst v2  }
0x26: {  	v2 =	vadd.s32 v1, v4;
	[tilespmem:$0xA0] =	vst v3  }
0x27: {  	[tilespmem:$0x80] =	vst v2;
	v2 =	vadd.s32 v1, v5  }
.Ltmp1:
0x28: {  	[tilespmem:$0x90] =	vst v2;
	(pc) =	sbr.rel @p0 .LBB2_1-.Ltmp1, $4  }
0x29: {  	[tilespmem:s7], [sflag:$0x1] =	stream.indirect.gather [hbm4b:s1+s6], $0x1, s8, s6, $0xb8;
	[tilespmem:$0x180] =	vst v63  }
0x2a: {  	_ =	swait.ge [sflag:s9], $0x40  }
0x2b: {  	[sflag:s9] =	ssyncset.done $0x0  }
0x2c: {  	[sflag:s9] =	ssyncadd.s32 $0xFFFFFFC0  }
.LBB2_2:
0x2d: {  	[hbm4b:s10+s4] =	stream.linear.scatter [tilespmem:s7], [sflag:$0x2], $0x40, $0x38;
	[tilespmem:$0x180] =	vst v63  }
0x2e: {  	_ =	swait.ge [sflag:s5], $0x40  }
0x2f: {  	[sflag:s5] =	ssyncset.done $0x0  }
0x30: {  	[sflag:s5] =	ssyncadd.s32 $0xFFFFFFC0  }
0x31: {  	_ =	sfence.sel $0x180000  }
0x32: {  	[bflag:$0x0] =	sbarrier.arrive $0xFFFF  }
0x33: {  	p0 =	sne.s32 s3, $0x0;
	_ =	strace $0x90000047  }
0x34: {  	s0 =	sadd.s32 @!p0 $0x100000, s0;
	[bflag:$0x2] =	sbarrier.arrive $0xFFFF  }
0x35: {  	[sflag:s0] =	ssyncadd.tile.s32 @!p0 $0x1;
	_ =	shalt  }
.Lfunc_end2:
_tile_overlayer_lowered:
.L_overlay_start_2:
0x36: {  	(tag) =	ssettag $0x2  }
0x37: {  	s0 =	rddreg [dreg:$0x0];
	s2 =	stileid.u32  }
0x38: {  	s1 =	rddreg [dreg:$0x1];
	p0 =	sne.s32 s2, $0x0  }
0x39: {  	s3 =	rddreg [dreg:$0x2];
	[bflag:$0x3] =	sbarrier.arrive $0xFFFF;
	s2 =	simm.s32 @!p0 $0x1C02  }
0x3a: {  	[timem:s3], [sflag:s2] =	dma.local @!p0 [hbm:s0], s1  }
0x3b: {  	s0 =	simm.s32 @!p0 $0x2  }
0x3c: {  	_ =	swait.ge @!p0 [sflag:s0], s1  }
0x3d: {  	s1 =	ssub.s32 @!p0 $0x0, s1;
	[sflag:s0] =	ssyncset.done @!p0 $0x0  }
0x3e: {  	[sflag:s0] =	ssyncadd.s32 @!p0 s1  }
0x3f: {  	[bflag:$0x3] =	sbarrier.arrive $0xFFFF  }
0x40: {  	_ =	shalt  }

</sc_bundles>
